<compile_context>
chip_gen: v7x
topology: tpu7x:2x2x1
jax: 0.10.2.dev20260603
libtpu: 0.0.44.dev20260713+nightly
codegen_flags: <defaults>
</compile_context>

<pallas_src>
import functools
import jax
import jax.numpy as jnp
from jax import lax
from jax.experimental import pallas as pl
from jax.experimental.pallas import tpu as pltpu
from jax.experimental.pallas import tpu_sc as plsc

E = 8
H = 768
FF = 4 * H
T = 2048
N = 2 * T
BM = 256
NB = N // BM
G = NB + E - 1
BF = 512
NF = FF // BF
G2 = NF * G

NW = 32
TW = T // NW
CB = 128


def _router_body(hs_ref, gw_ref, gb_ref, noise_ref,
                 logits_ref, sel_ref, w_ref, p0_ref, p1_ref, cnt_ref):
    x = hs_ref[...]
    logits = jnp.dot(x, gw_ref[...], preferred_element_type=jnp.float32)
    logits = logits + gb_ref[...] + noise_ref[...]
    logits_ref[...] = logits
    m = jnp.max(logits, axis=-1, keepdims=True)
    p = jnp.exp(logits - m)
    probs = p / jnp.sum(p, axis=-1, keepdims=True)
    iota = lax.broadcasted_iota(jnp.int32, (T, E), 1)
    m1 = jnp.max(probs, axis=-1, keepdims=True)
    i1 = jnp.min(jnp.where(probs == m1, iota, E), axis=-1, keepdims=True)
    probs2 = jnp.where(iota == i1, -1.0, probs)
    m2 = jnp.max(probs2, axis=-1, keepdims=True)
    i2 = jnp.min(jnp.where(probs2 == m2, iota, E), axis=-1, keepdims=True)
    s = m1 + m2
    sel_ref[...] = jnp.concatenate([i1, i2], axis=1)
    w_ref[...] = jnp.concatenate([m1 / s, m2 / s], axis=1)

    oh1 = jnp.where(iota == i1, 1.0, 0.0)
    oh2 = jnp.where(iota == i2, 1.0, 0.0)
    S = oh1 + oh2
    r = lax.broadcasted_iota(jnp.int32, (CB, CB), 0)
    c = lax.broadcasted_iota(jnp.int32, (CB, CB), 1)
    L = jnp.where(r > c, 1.0, 0.0)
    blocks = []
    running = jnp.zeros((1, E), jnp.float32)
    for k in range(T // CB):
        Sk = S[k * CB:(k + 1) * CB, :]
        blocks.append(jnp.dot(L, Sk, preferred_element_type=jnp.float32)
                      + running)
        running = running + jnp.sum(Sk, axis=0, keepdims=True)
    csum = jnp.concatenate(blocks, axis=0)
    counts = running
    z1 = jnp.zeros((1, 1), jnp.float32)
    offs = jnp.concatenate([z1, counts[:, :-1]], axis=1)
    offs = offs + jnp.concatenate([z1, offs[:, :-1]], axis=1)
    z2 = jnp.zeros((1, 2), jnp.float32)
    offs = offs + jnp.concatenate([z2, offs[:, :-2]], axis=1)
    z4 = jnp.zeros((1, 4), jnp.float32)
    offs = offs + jnp.concatenate([z4, offs[:, :-4]], axis=1)
    base = csum + offs
    pos0 = jnp.sum(jnp.where(iota == i1, base, 0.0), axis=-1, keepdims=True)
    pos1 = jnp.sum(jnp.where(iota == i2, base, 0.0), axis=-1, keepdims=True)
    p0_ref[...] = pos0.astype(jnp.int32)
    p1_ref[...] = pos1.astype(jnp.int32)
    total = offs[:, -1:] + counts[:, -1:]
    z7 = jnp.zeros((1, 7), jnp.float32)
    cnt_ref[...] = jnp.concatenate([offs, total, z7],
                                   axis=1).astype(jnp.int32)


def _run_router(hs, gate_w, gate_b, noise):
    return pl.pallas_call(
        _router_body,
        out_shape=(
            jax.ShapeDtypeStruct((T, E), jnp.float32),
            jax.ShapeDtypeStruct((T, 2), jnp.int32),
            jax.ShapeDtypeStruct((T, 2), jnp.float32),
            jax.ShapeDtypeStruct((T, 1), jnp.int32),
            jax.ShapeDtypeStruct((T, 1), jnp.int32),
            jax.ShapeDtypeStruct((1, 16), jnp.int32),
        ),
    )(hs, gate_w, gate_b.reshape(1, E), noise)


def _sc_dispatch(hs, p0, p1):
    mesh = plsc.VectorSubcoreMesh(core_axis_name="c", subcore_axis_name="s")

    @functools.partial(
        pl.kernel,
        out_type=jax.ShapeDtypeStruct((N, H), jnp.float32),
        mesh=mesh,
        scratch_types=[
            pltpu.VMEM((TW, H), jnp.float32),
            pltpu.VMEM((TW,), jnp.int32),
            pltpu.VMEM((TW,), jnp.int32),
            pltpu.SemaphoreType.DMA,
        ],
    )
    def k(hs_hbm, p0_hbm, p1_hbm, xs_hbm, xloc, p0v, p1v, sem):
        wid = lax.axis_index("s") * 2 + lax.axis_index("c")
        base = wid * TW
        pltpu.sync_copy(hs_hbm.at[pl.ds(base, TW)], xloc)
        pltpu.sync_copy(p0_hbm.at[pl.ds(base, TW)], p0v)
        pltpu.sync_copy(p1_hbm.at[pl.ds(base, TW)], p1v)
        pltpu.async_copy(xloc, xs_hbm.at[p0v], sem).wait()
        pltpu.async_copy(xloc, xs_hbm.at[p1v], sem).wait()

    return k(hs, p0, p1)


def _sc_gather(ys, p0, p1):
    mesh = plsc.VectorSubcoreMesh(core_axis_name="c", subcore_axis_name="s")

    @functools.partial(
        pl.kernel,
        out_type=(jax.ShapeDtypeStruct((T, H), jnp.float32),
                  jax.ShapeDtypeStruct((T, H), jnp.float32)),
        mesh=mesh,
        scratch_types=[
            pltpu.VMEM((TW, H), jnp.float32),
            pltpu.VMEM((TW, H), jnp.float32),
            pltpu.VMEM((TW,), jnp.int32),
            pltpu.VMEM((TW,), jnp.int32),
            pltpu.SemaphoreType.DMA,
        ],
    )
    def k(ys_hbm, p0_hbm, p1_hbm, y0_hbm, y1_hbm, y0loc, y1loc, p0v, p1v,
          sem):
        wid = lax.axis_index("s") * 2 + lax.axis_index("c")
        base = wid * TW
        pltpu.sync_copy(p0_hbm.at[pl.ds(base, TW)], p0v)
        pltpu.sync_copy(p1_hbm.at[pl.ds(base, TW)], p1v)
        pltpu.async_copy(ys_hbm.at[p0v], y0loc, sem).wait()
        pltpu.async_copy(ys_hbm.at[p1v], y1loc, sem).wait()
        pltpu.sync_copy(y0loc, y0_hbm.at[pl.ds(base, TW)])
        pltpu.sync_copy(y1loc, y1_hbm.at[pl.ds(base, TW)])

    return k(ys, p0, p1)


def _grouped_body(offs_ref, xs_ref, w1_ref, b1_ref, w3_ref, b3_ref,
                  w2_ref, b2_ref, out_ref):
    e = pl.program_id(0)
    f = pl.program_id(1)
    start = offs_ref[0, e]
    end = offs_ref[0, e + 1]
    blo = start // BM
    bhi = jnp.where(end > start, (end + BM - 1) // BM, blo)
    def step(b, carry):
        sl = pl.ds(b * BM, BM)
        x = xs_ref[sl, :]
        h1 = (jnp.dot(x, w1_ref[0], preferred_element_type=jnp.float32)
              + b1_ref[0])
        h1 = h1 / (1.0 + jnp.exp(-h1))
        h3 = (jnp.dot(x, w3_ref[0], preferred_element_type=jnp.float32)
              + b3_ref[0])
        pp = jnp.dot(h1 * h3, w2_ref[0], preferred_element_type=jnp.float32)
        rows = b * BM + lax.broadcasted_iota(jnp.int32, (BM, 1), 0)
        mask = (rows >= start) & (rows < end)
        v = out_ref[sl, :]
        acc = jnp.where(f == 0, pp, v + pp)
        acc = jnp.where(f == NF - 1, acc + b2_ref[0], acc)
        out_ref[sl, :] = jnp.where(mask, acc, v)
        return carry

    lax.fori_loop(blo, bhi, step, 0)


def _run_grouped(offs, xs, w1, b1, w3, b3, w2, b2):
    grid_spec = pltpu.PrefetchScalarGridSpec(
        num_scalar_prefetch=1,
        grid=(E, NF),
        in_specs=[
            pl.BlockSpec((N, H), lambda e, f, o: (0, 0)),
            pl.BlockSpec((1, H, BF), lambda e, f, o: (e, 0, f)),
            pl.BlockSpec((1, 1, BF), lambda e, f, o: (e, 0, f)),
            pl.BlockSpec((1, H, BF), lambda e, f, o: (e, 0, f)),
            pl.BlockSpec((1, 1, BF), lambda e, f, o: (e, 0, f)),
            pl.BlockSpec((1, BF, H), lambda e, f, o: (e, f, 0)),
            pl.BlockSpec((1, 1, H), lambda e, f, o: (e, 0, 0)),
        ],
        out_specs=pl.BlockSpec((N, H), lambda e, f, o: (0, 0)),
    )
    return pl.pallas_call(
        _grouped_body,
        grid_spec=grid_spec,
        out_shape=jax.ShapeDtypeStruct((N, H), jnp.float32),
    )(offs, xs, w1, b1.reshape(E, 1, FF), w3, b3.reshape(E, 1, FF),
      w2, b2.reshape(E, 1, H))


def _combine_body(w_ref, y0_ref, y1_ref, out_ref):
    w = w_ref[...]
    out_ref[...] = (w[:, 0:1] * y0_ref[...] + w[:, 1:2] * y1_ref[...])


def _run_combine(w01, y0, y1):
    return pl.pallas_call(
        _combine_body,
        out_shape=jax.ShapeDtypeStruct((T, H), jnp.float32),
    )(w01, y0, y1)


def kernel(x, gate_w, gate_b, w1, b1, w2, b2, w3, b3):
    Bd, Td, Hd = x.shape
    hs = x.reshape(-1, Hd)
    noise = jax.random.normal(jax.random.key(42), (T, E), jnp.float32) * 0.01
    logits, sel, w01, p0, p1, offs = _run_router(hs, gate_w, gate_b, noise)
    p0 = p0.reshape(T)
    p1 = p1.reshape(T)
    xs = _sc_dispatch(hs, p0, p1)
    ys = _run_grouped(offs, xs, w1, b1, w3, b3, w2, b2)
    y0, y1 = _sc_gather(ys, p0, p1)
    out = _run_combine(w01, y0, y1)
    return (out.reshape(Bd, Td, Hd), logits, sel)

# --- scband reference (transcript-rebuilt; emitter-appended) ---
"""Pipeline reference for scband-sparse-moe-71459665871612 (READ-ONLY COPY).

The authoritative reference and input builder live on the scoring server;
editing this copy changes nothing except your own understanding.
"""

import jax, jax.numpy as jnp
import numpy as np

E = 8
TOP_K = 2
H = 768
FF = 4 * H
B, T = 1, 2048


def setup_inputs(seed: int = 0) -> dict:
    key = jax.random.key(seed)
    ks = jax.random.split(key, 6)
    x = jax.random.normal(ks[0], (B, T, H), dtype=jnp.float32)
    gate_w = jax.random.normal(ks[1], (H, E), dtype=jnp.float32) * 0.02
    gate_b = jnp.zeros((E,), dtype=jnp.float32)
    w1 = jax.random.normal(ks[2], (E, H, FF), dtype=jnp.float32) * 0.02
    b1 = jnp.zeros((E, FF), dtype=jnp.float32)
    w2 = jax.random.normal(ks[3], (E, FF, H), dtype=jnp.float32) * 0.02
    b2 = jnp.zeros((E, H), dtype=jnp.float32)
    w3 = jax.random.normal(ks[4], (E, H, FF), dtype=jnp.float32) * 0.02
    b3 = jnp.zeros((E, FF), dtype=jnp.float32)
    return {"x": x, "gate_w": gate_w, "gate_b": gate_b,
            "w1": w1, "b1": b1, "w2": w2, "b2": b2, "w3": w3, "b3": b3}


def reference(x, gate_w, gate_b, w1, b1, w2, b2, w3, b3):
    Bd, Td, Hd = x.shape
    hs = x.reshape(-1, Hd)
    # noisy gate (fixed key stands in for torch.randn_like noise)
    logits = hs @ gate_w + gate_b
    noise = jax.random.normal(jax.random.key(42), logits.shape, dtype=logits.dtype) * 0.01
    logits = logits + noise
    probs = jax.nn.softmax(logits, axis=-1)
    weights, sel = jax.lax.top_k(probs, TOP_K)
    weights = weights / jnp.sum(weights, axis=-1, keepdims=True)
    # dense expert dispatch: mathematically identical to the permute/split/cat
    # path (unselected tokens get combine coefficient 0)
    out = jnp.zeros_like(hs)
    for e in range(E):
        h1 = jax.nn.silu(hs @ w1[e] + b1[e])
        h3 = hs @ w3[e] + b3[e]
        eo = (h1 * h3) @ w2[e] + b2[e]
        coeff = jnp.sum(jnp.where(sel == e, weights, 0.0), axis=-1)
        out = out + eo * coeff[:, None]
    final = out.reshape(Bd, Td, Hd)
    return (final, logits, sel)

if __name__ == "__main__":
    import jax
    _d = setup_inputs()
    print(jax.jit(kernel)(*tuple(_d.values())))

</pallas_src>

<mosaic_0001>
#map = affine_map<(d0, d1) -> (0, 0)>
#map1 = affine_map<(d0, d1) -> (0)>
module attributes {stable_mosaic.version = 14 : i64} {
  func.func @k(%arg0: i32, %arg1: i32, %arg2: memref<4096x768xf32, #tpu.memory_space<hbm>>, %arg3: memref<2048xi32, #tpu.memory_space<hbm>>, %arg4: memref<2048xi32, #tpu.memory_space<hbm>>, %arg5: memref<2048x768xf32, #tpu.memory_space<hbm>>, %arg6: memref<2048x768xf32, #tpu.memory_space<hbm>>, %arg7: memref<64x768xf32, #tpu.memory_space<vmem>>, %arg8: memref<64x768xf32, #tpu.memory_space<vmem>>, %arg9: memref<64xi32, #tpu.memory_space<vmem>>, %arg10: memref<64xi32, #tpu.memory_space<vmem>>, %arg11: memref<!tpu.dma_semaphore, #tpu.memory_space<semaphore_mem>>) attributes {dimension_semantics = [#tpu.dimension_semantics<core_parallel>, #tpu.dimension_semantics<subcore_parallel>], iteration_bounds = array<i64: 2, 16>, scalar_prefetch = 0 : i64, scratch_operands = 5 : i64, tpu.core_type = #tpu.core_type<sc_vector_subcore>, window_params = [{transform_indices = #map}, {transform_indices = #map1}, {transform_indices = #map1}, {transform_indices = #map}, {transform_indices = #map}]} {
    %mul3A = arith.constant 2 : i32
    %mul3A_0 = arith.muli %arg1, %mul3A : i32
    %add3A = arith.addi %mul3A_0, %arg0 : i32
    %mul3A_1 = arith.constant 64 : i32
    %mul3A_2 = arith.muli %add3A, %mul3A_1 : i32
    "tpu.region"() ({
      %run_scoped3A = tpu.sem_alloc : memref<!tpu.dma_semaphore, #tpu.memory_space<semaphore_mem>>
      %dma_start3A_13 = tpu.memref_slice %arg3[%mul3A_2] : memref<2048xi32, #tpu.memory_space<hbm>> -> memref<64xi32, #tpu.memory_space<hbm>>
      %dma_start3A_14 = tpu.memref_slice %arg3[%mul3A_2] : memref<2048xi32, #tpu.memory_space<hbm>> -> memref<64xi32, #tpu.memory_space<hbm>>
      tpu.enqueue_dma source(%dma_start3A_14 : memref<64xi32, #tpu.memory_space<hbm>>) target(%arg9 : memref<64xi32, #tpu.memory_space<vmem>>) target_semaphore(%run_scoped3A : memref<!tpu.dma_semaphore, #tpu.memory_space<semaphore_mem>>)
      %dma_wait3A_15 = tpu.memref_slice %arg3[%mul3A_2] : memref<2048xi32, #tpu.memory_space<hbm>> -> memref<64xi32, #tpu.memory_space<hbm>>
      %dma_wait3A_16 = tpu.memref_slice %arg3[%mul3A_2] : memref<2048xi32, #tpu.memory_space<hbm>> -> memref<64xi32, #tpu.memory_space<hbm>>
      tpu.wait_dma2 semaphore(%run_scoped3A : memref<!tpu.dma_semaphore, #tpu.memory_space<semaphore_mem>>) src(%dma_wait3A_16 : memref<64xi32, #tpu.memory_space<hbm>>) dst(%arg9 : memref<64xi32, #tpu.memory_space<vmem>>)
      tpu.yield
    }) : () -> ()
    "tpu.region"() ({
      %run_scoped3A = tpu.sem_alloc : memref<!tpu.dma_semaphore, #tpu.memory_space<semaphore_mem>>
      %dma_start3A_13 = tpu.memref_slice %arg4[%mul3A_2] : memref<2048xi32, #tpu.memory_space<hbm>> -> memref<64xi32, #tpu.memory_space<hbm>>
      %dma_start3A_14 = tpu.memref_slice %arg4[%mul3A_2] : memref<2048xi32, #tpu.memory_space<hbm>> -> memref<64xi32, #tpu.memory_space<hbm>>
      tpu.enqueue_dma source(%dma_start3A_14 : memref<64xi32, #tpu.memory_space<hbm>>) target(%arg10 : memref<64xi32, #tpu.memory_space<vmem>>) target_semaphore(%run_scoped3A : memref<!tpu.dma_semaphore, #tpu.memory_space<semaphore_mem>>)
      %dma_wait3A_15 = tpu.memref_slice %arg4[%mul3A_2] : memref<2048xi32, #tpu.memory_space<hbm>> -> memref<64xi32, #tpu.memory_space<hbm>>
      %dma_wait3A_16 = tpu.memref_slice %arg4[%mul3A_2] : memref<2048xi32, #tpu.memory_space<hbm>> -> memref<64xi32, #tpu.memory_space<hbm>>
      tpu.wait_dma2 semaphore(%run_scoped3A : memref<!tpu.dma_semaphore, #tpu.memory_space<semaphore_mem>>) src(%dma_wait3A_16 : memref<64xi32, #tpu.memory_space<hbm>>) dst(%arg10 : memref<64xi32, #tpu.memory_space<vmem>>)
      tpu.yield
    }) : () -> ()
    %dma_start3A = arith.constant 0 : i32
    %dma_start3A_3 = arith.constant 0 : i32
    %dma_start3A_4 = tpu.memref_slice %arg2[%dma_start3A, %dma_start3A_3] : memref<4096x768xf32, #tpu.memory_space<hbm>> -> memref<4096x768xf32, #tpu.memory_space<hbm>>
    tpu.enqueue_indirect_dma source(%dma_start3A_4 : memref<4096x768xf32, #tpu.memory_space<hbm>>) target(%arg7 : memref<64x768xf32, #tpu.memory_space<vmem>>) offsets(%arg9 : memref<64xi32, #tpu.memory_space<vmem>>) semaphore(%arg11 : memref<!tpu.dma_semaphore, #tpu.memory_space<semaphore_mem>>)
    %dma_wait3A = arith.constant 0 : i32
    %dma_wait3A_5 = arith.constant 0 : i32
    %dma_wait3A_6 = tpu.memref_slice %arg2[%dma_wait3A, %dma_wait3A_5] : memref<4096x768xf32, #tpu.memory_space<hbm>> -> memref<4096x768xf32, #tpu.memory_space<hbm>>
    tpu.wait_indirect_dma semaphore(%arg11 : memref<!tpu.dma_semaphore, #tpu.memory_space<semaphore_mem>>) src(%dma_wait3A_6 : memref<4096x768xf32, #tpu.memory_space<hbm>>) dst(%arg7 : memref<64x768xf32, #tpu.memory_space<vmem>>)
    %dma_start3A_7 = arith.constant 0 : i32
    %dma_start3A_8 = arith.constant 0 : i32
    %dma_start3A_9 = tpu.memref_slice %arg2[%dma_start3A_7, %dma_start3A_8] : memref<4096x768xf32, #tpu.memory_space<hbm>> -> memref<4096x768xf32, #tpu.memory_space<hbm>>
    tpu.enqueue_indirect_dma source(%dma_start3A_9 : memref<4096x768xf32, #tpu.memory_space<hbm>>) target(%arg8 : memref<64x768xf32, #tpu.memory_space<vmem>>) offsets(%arg10 : memref<64xi32, #tpu.memory_space<vmem>>) semaphore(%arg11 : memref<!tpu.dma_semaphore, #tpu.memory_space<semaphore_mem>>)
    %dma_wait3A_10 = arith.constant 0 : i32
    %dma_wait3A_11 = arith.constant 0 : i32
    %dma_wait3A_12 = tpu.memref_slice %arg2[%dma_wait3A_10, %dma_wait3A_11] : memref<4096x768xf32, #tpu.memory_space<hbm>> -> memref<4096x768xf32, #tpu.memory_space<hbm>>
    tpu.wait_indirect_dma semaphore(%arg11 : memref<!tpu.dma_semaphore, #tpu.memory_space<semaphore_mem>>) src(%dma_wait3A_12 : memref<4096x768xf32, #tpu.memory_space<hbm>>) dst(%arg8 : memref<64x768xf32, #tpu.memory_space<vmem>>)
    "tpu.region"() ({
      %run_scoped3A = tpu.sem_alloc : memref<!tpu.dma_semaphore, #tpu.memory_space<semaphore_mem>>
      %dma_start3A_13 = arith.constant 0 : i32
      %dma_start3A_14 = tpu.memref_slice %arg5[%mul3A_2, %dma_start3A_13] : memref<2048x768xf32, #tpu.memory_space<hbm>> -> memref<64x768xf32, #tpu.memory_space<hbm>>
      %dma_start3A_15 = arith.constant 0 : i32
      %dma_start3A_16 = tpu.memref_slice %arg5[%mul3A_2, %dma_start3A_15] : memref<2048x768xf32, #tpu.memory_space<hbm>> -> memref<64x768xf32, #tpu.memory_space<hbm>>
      tpu.enqueue_dma source(%arg7 : memref<64x768xf32, #tpu.memory_space<vmem>>) target(%dma_start3A_16 : memref<64x768xf32, #tpu.memory_space<hbm>>) target_semaphore(%run_scoped3A : memref<!tpu.dma_semaphore, #tpu.memory_space<semaphore_mem>>)
      %dma_wait3A_17 = arith.constant 0 : i32
      %dma_wait3A_18 = tpu.memref_slice %arg5[%mul3A_2, %dma_wait3A_17] : memref<2048x768xf32, #tpu.memory_space<hbm>> -> memref<64x768xf32, #tpu.memory_space<hbm>>
      %dma_wait3A_19 = arith.constant 0 : i32
      %dma_wait3A_20 = tpu.memref_slice %arg5[%mul3A_2, %dma_wait3A_19] : memref<2048x768xf32, #tpu.memory_space<hbm>> -> memref<64x768xf32, #tpu.memory_space<hbm>>
      tpu.wait_dma2 semaphore(%run_scoped3A : memref<!tpu.dma_semaphore, #tpu.memory_space<semaphore_mem>>) src(%arg7 : memref<64x768xf32, #tpu.memory_space<vmem>>) dst(%dma_wait3A_20 : memref<64x768xf32, #tpu.memory_space<hbm>>)
      tpu.yield
    }) : () -> ()
    "tpu.region"() ({
      %run_scoped3A = tpu.sem_alloc : memref<!tpu.dma_semaphore, #tpu.memory_space<semaphore_mem>>
      %dma_start3A_13 = arith.constant 0 : i32
      %dma_start3A_14 = tpu.memref_slice %arg6[%mul3A_2, %dma_start3A_13] : memref<2048x768xf32, #tpu.memory_space<hbm>> -> memref<64x768xf32, #tpu.memory_space<hbm>>
      %dma_start3A_15 = arith.constant 0 : i32
      %dma_start3A_16 = tpu.memref_slice %arg6[%mul3A_2, %dma_start3A_15] : memref<2048x768xf32, #tpu.memory_space<hbm>> -> memref<64x768xf32, #tpu.memory_space<hbm>>
      tpu.enqueue_dma source(%arg8 : memref<64x768xf32, #tpu.memory_space<vmem>>) target(%dma_start3A_16 : memref<64x768xf32, #tpu.memory_space<hbm>>) target_semaphore(%run_scoped3A : memref<!tpu.dma_semaphore, #tpu.memory_space<semaphore_mem>>)
      %dma_wait3A_17 = arith.constant 0 : i32
      %dma_wait3A_18 = tpu.memref_slice %arg6[%mul3A_2, %dma_wait3A_17] : memref<2048x768xf32, #tpu.memory_space<hbm>> -> memref<64x768xf32, #tpu.memory_space<hbm>>
      %dma_wait3A_19 = arith.constant 0 : i32
      %dma_wait3A_20 = tpu.memref_slice %arg6[%mul3A_2, %dma_wait3A_19] : memref<2048x768xf32, #tpu.memory_space<hbm>> -> memref<64x768xf32, #tpu.memory_space<hbm>>
      tpu.wait_dma2 semaphore(%run_scoped3A : memref<!tpu.dma_semaphore, #tpu.memory_space<semaphore_mem>>) src(%arg8 : memref<64x768xf32, #tpu.memory_space<vmem>>) dst(%dma_wait3A_20 : memref<64x768xf32, #tpu.memory_space<hbm>>)
      tpu.yield
    }) : () -> ()
    return
  }
}

#map = affine_map<(d0, d1) -> (0, 0)>
#map1 = affine_map<(d0, d1) -> (0)>
module attributes {stable_mosaic.version = 14 : i64} {
  func.func @k(%arg0: i32, %arg1: i32, %arg2: memref<2048x768xf32, #tpu.memory_space<hbm>>, %arg3: memref<2048xi32, #tpu.memory_space<hbm>>, %arg4: memref<2048xi32, #tpu.memory_space<hbm>>, %arg5: memref<4096x768xf32, #tpu.memory_space<hbm>>, %arg6: memref<64x768xf32, #tpu.memory_space<vmem>>, %arg7: memref<64xi32, #tpu.memory_space<vmem>>, %arg8: memref<64xi32, #tpu.memory_space<vmem>>, %arg9: memref<!tpu.dma_semaphore, #tpu.memory_space<semaphore_mem>>) attributes {dimension_semantics = [#tpu.dimension_semantics<core_parallel>, #tpu.dimension_semantics<subcore_parallel>], iteration_bounds = array<i64: 2, 16>, scalar_prefetch = 0 : i64, scratch_operands = 4 : i64, tpu.core_type = #tpu.core_type<sc_vector_subcore>, window_params = [{transform_indices = #map}, {transform_indices = #map1}, {transform_indices = #map1}, {transform_indices = #map}]} {
    %mul3A = arith.constant 2 : i32
    %mul3A_0 = arith.muli %arg1, %mul3A : i32
    %add3A = arith.addi %mul3A_0, %arg0 : i32
    %mul3A_1 = arith.constant 64 : i32
    %mul3A_2 = arith.muli %add3A, %mul3A_1 : i32
    "tpu.region"() ({
      %run_scoped3A = tpu.sem_alloc : memref<!tpu.dma_semaphore, #tpu.memory_space<semaphore_mem>>
      %dma_start3A_13 = arith.constant 0 : i32
      %dma_start3A_14 = tpu.memref_slice %arg2[%mul3A_2, %dma_start3A_13] : memref<2048x768xf32, #tpu.memory_space<hbm>> -> memref<64x768xf32, #tpu.memory_space<hbm>>
      %dma_start3A_15 = arith.constant 0 : i32
      %dma_start3A_16 = tpu.memref_slice %arg2[%mul3A_2, %dma_start3A_15] : memref<2048x768xf32, #tpu.memory_space<hbm>> -> memref<64x768xf32, #tpu.memory_space<hbm>>
      tpu.enqueue_dma source(%dma_start3A_16 : memref<64x768xf32, #tpu.memory_space<hbm>>) target(%arg6 : memref<64x768xf32, #tpu.memory_space<vmem>>) target_semaphore(%run_scoped3A : memref<!tpu.dma_semaphore, #tpu.memory_space<semaphore_mem>>)
      %dma_wait3A_17 = arith.constant 0 : i32
      %dma_wait3A_18 = tpu.memref_slice %arg2[%mul3A_2, %dma_wait3A_17] : memref<2048x768xf32, #tpu.memory_space<hbm>> -> memref<64x768xf32, #tpu.memory_space<hbm>>
      %dma_wait3A_19 = arith.constant 0 : i32
      %dma_wait3A_20 = tpu.memref_slice %arg2[%mul3A_2, %dma_wait3A_19] : memref<2048x768xf32, #tpu.memory_space<hbm>> -> memref<64x768xf32, #tpu.memory_space<hbm>>
      tpu.wait_dma2 semaphore(%run_scoped3A : memref<!tpu.dma_semaphore, #tpu.memory_space<semaphore_mem>>) src(%dma_wait3A_20 : memref<64x768xf32, #tpu.memory_space<hbm>>) dst(%arg6 : memref<64x768xf32, #tpu.memory_space<vmem>>)
      tpu.yield
    }) : () -> ()
    "tpu.region"() ({
      %run_scoped3A = tpu.sem_alloc : memref<!tpu.dma_semaphore, #tpu.memory_space<semaphore_mem>>
      %dma_start3A_13 = tpu.memref_slice %arg3[%mul3A_2] : memref<2048xi32, #tpu.memory_space<hbm>> -> memref<64xi32, #tpu.memory_space<hbm>>
      %dma_start3A_14 = tpu.memref_slice %arg3[%mul3A_2] : memref<2048xi32, #tpu.memory_space<hbm>> -> memref<64xi32, #tpu.memory_space<hbm>>
      tpu.enqueue_dma source(%dma_start3A_14 : memref<64xi32, #tpu.memory_space<hbm>>) target(%arg7 : memref<64xi32, #tpu.memory_space<vmem>>) target_semaphore(%run_scoped3A : memref<!tpu.dma_semaphore, #tpu.memory_space<semaphore_mem>>)
      %dma_wait3A_15 = tpu.memref_slice %arg3[%mul3A_2] : memref<2048xi32, #tpu.memory_space<hbm>> -> memref<64xi32, #tpu.memory_space<hbm>>
      %dma_wait3A_16 = tpu.memref_slice %arg3[%mul3A_2] : memref<2048xi32, #tpu.memory_space<hbm>> -> memref<64xi32, #tpu.memory_space<hbm>>
      tpu.wait_dma2 semaphore(%run_scoped3A : memref<!tpu.dma_semaphore, #tpu.memory_space<semaphore_mem>>) src(%dma_wait3A_16 : memref<64xi32, #tpu.memory_space<hbm>>) dst(%arg7 : memref<64xi32, #tpu.memory_space<vmem>>)
      tpu.yield
    }) : () -> ()
    "tpu.region"() ({
      %run_scoped3A = tpu.sem_alloc : memref<!tpu.dma_semaphore, #tpu.memory_space<semaphore_mem>>
      %dma_start3A_13 = tpu.memref_slice %arg4[%mul3A_2] : memref<2048xi32, #tpu.memory_space<hbm>> -> memref<64xi32, #tpu.memory_space<hbm>>
      %dma_start3A_14 = tpu.memref_slice %arg4[%mul3A_2] : memref<2048xi32, #tpu.memory_space<hbm>> -> memref<64xi32, #tpu.memory_space<hbm>>
      tpu.enqueue_dma source(%dma_start3A_14 : memref<64xi32, #tpu.memory_space<hbm>>) target(%arg8 : memref<64xi32, #tpu.memory_space<vmem>>) target_semaphore(%run_scoped3A : memref<!tpu.dma_semaphore, #tpu.memory_space<semaphore_mem>>)
      %dma_wait3A_15 = tpu.memref_slice %arg4[%mul3A_2] : memref<2048xi32, #tpu.memory_space<hbm>> -> memref<64xi32, #tpu.memory_space<hbm>>
      %dma_wait3A_16 = tpu.memref_slice %arg4[%mul3A_2] : memref<2048xi32, #tpu.memory_space<hbm>> -> memref<64xi32, #tpu.memory_space<hbm>>
      tpu.wait_dma2 semaphore(%run_scoped3A : memref<!tpu.dma_semaphore, #tpu.memory_space<semaphore_mem>>) src(%dma_wait3A_16 : memref<64xi32, #tpu.memory_space<hbm>>) dst(%arg8 : memref<64xi32, #tpu.memory_space<vmem>>)
      tpu.yield
    }) : () -> ()
    %dma_start3A = arith.constant 0 : i32
    %dma_start3A_3 = arith.constant 0 : i32
    %dma_start3A_4 = tpu.memref_slice %arg5[%dma_start3A, %dma_start3A_3] : memref<4096x768xf32, #tpu.memory_space<hbm>> -> memref<4096x768xf32, #tpu.memory_space<hbm>>
    tpu.enqueue_indirect_dma source(%arg6 : memref<64x768xf32, #tpu.memory_space<vmem>>) target(%dma_start3A_4 : memref<4096x768xf32, #tpu.memory_space<hbm>>) offsets(%arg7 : memref<64xi32, #tpu.memory_space<vmem>>) semaphore(%arg9 : memref<!tpu.dma_semaphore, #tpu.memory_space<semaphore_mem>>)
    %dma_wait3A = arith.constant 0 : i32
    %dma_wait3A_5 = arith.constant 0 : i32
    %dma_wait3A_6 = tpu.memref_slice %arg5[%dma_wait3A, %dma_wait3A_5] : memref<4096x768xf32, #tpu.memory_space<hbm>> -> memref<4096x768xf32, #tpu.memory_space<hbm>>
    tpu.wait_indirect_dma semaphore(%arg9 : memref<!tpu.dma_semaphore, #tpu.memory_space<semaphore_mem>>) src(%arg6 : memref<64x768xf32, #tpu.memory_space<vmem>>) dst(%dma_wait3A_6 : memref<4096x768xf32, #tpu.memory_space<hbm>>)
    %dma_start3A_7 = arith.constant 0 : i32
    %dma_start3A_8 = arith.constant 0 : i32
    %dma_start3A_9 = tpu.memref_slice %arg5[%dma_start3A_7, %dma_start3A_8] : memref<4096x768xf32, #tpu.memory_space<hbm>> -> memref<4096x768xf32, #tpu.memory_space<hbm>>
    tpu.enqueue_indirect_dma source(%arg6 : memref<64x768xf32, #tpu.memory_space<vmem>>) target(%dma_start3A_9 : memref<4096x768xf32, #tpu.memory_space<hbm>>) offsets(%arg8 : memref<64xi32, #tpu.memory_space<vmem>>) semaphore(%arg9 : memref<!tpu.dma_semaphore, #tpu.memory_space<semaphore_mem>>)
    %dma_wait3A_10 = arith.constant 0 : i32
    %dma_wait3A_11 = arith.constant 0 : i32
    %dma_wait3A_12 = tpu.memref_slice %arg5[%dma_wait3A_10, %dma_wait3A_11] : memref<4096x768xf32, #tpu.memory_space<hbm>> -> memref<4096x768xf32, #tpu.memory_space<hbm>>
    tpu.wait_indirect_dma semaphore(%arg9 : memref<!tpu.dma_semaphore, #tpu.memory_space<semaphore_mem>>) src(%arg6 : memref<64x768xf32, #tpu.memory_space<vmem>>) dst(%dma_wait3A_12 : memref<4096x768xf32, #tpu.memory_space<hbm>>)
    return
  }
}

module attributes {stable_mosaic.version = 14 : i64} {
  func.func @_router_body(%arg0: memref<2048x768xf32, #tpu.memory_space<vmem>>, %arg1: memref<768x8xf32, #tpu.memory_space<vmem>>, %arg2: memref<1x8xf32, #tpu.memory_space<vmem>>, %arg3: memref<2048x8xf32, #tpu.memory_space<vmem>>, %arg4: memref<2048x8xf32, #tpu.memory_space<vmem>>, %arg5: memref<2048x2xi32, #tpu.memory_space<vmem>>, %arg6: memref<2048x2xf32, #tpu.memory_space<vmem>>, %arg7: memref<2048x1xi32, #tpu.memory_space<vmem>>, %arg8: memref<2048x1xi32, #tpu.memory_space<vmem>>, %arg9: memref<1x16xi32, #tpu.memory_space<vmem>>) attributes {dimension_semantics = [], scalar_prefetch = 0 : i64, scratch_operands = 0 : i64, tpu.core_type = #tpu.core_type<tc>} {
    %get3A = arith.constant 0 : index
    %get3A_0 = arith.constant 0 : index
    %get3A_1 = vector.load %arg0[%get3A, %get3A_0] : memref<2048x768xf32, #tpu.memory_space<vmem>>, vector<2048x768xf32>
    %get3A_2 = arith.constant 0 : index
    %get3A_3 = arith.constant 0 : index
    %get3A_4 = vector.load %arg1[%get3A_2, %get3A_3] : memref<768x8xf32, #tpu.memory_space<vmem>>, vector<768x8xf32>
    %dot_general3A = arith.constant dense<0.000000e+00> : vector<2048x8xf32>
    %dot_general3A_5 = tpu.matmul %get3A_1, %get3A_4, %dot_general3A {dimension_numbers = #tpu.dot_dimension_numbers<[1], [0], [0], [1], [0, 0, 1, 1], [], []>, transpose_lhs_hint = false} : vector<2048x768xf32>, vector<768x8xf32>, vector<2048x8xf32> -> vector<2048x8xf32>
    %get3A_6 = arith.constant 0 : index
    %get3A_7 = arith.constant 0 : index
    %get3A_8 = vector.load %arg2[%get3A_6, %get3A_7] : memref<1x8xf32, #tpu.memory_space<vmem>>, vector<1x8xf32>
    %add3A = vector.broadcast %get3A_8 : vector<1x8xf32> to vector<2048x8xf32>
    %add3A_9 = arith.addf %dot_general3A_5, %add3A : vector<2048x8xf32>
    %get3A_10 = arith.constant 0 : index
    %get3A_11 = arith.constant 0 : index
    %get3A_12 = vector.load %arg3[%get3A_10, %get3A_11] : memref<2048x8xf32, #tpu.memory_space<vmem>>, vector<2048x8xf32>
    %add3A_13 = arith.addf %add3A_9, %get3A_12 : vector<2048x8xf32>
    %swap3A = arith.constant 0 : index
    %swap3A_14 = arith.constant 0 : index
    %swap3A_15 = vector.load %arg4[%swap3A, %swap3A_14] : memref<2048x8xf32, #tpu.memory_space<vmem>>, vector<2048x8xf32>
    tpu.vector_store %arg4[%swap3A, %swap3A_14], %add3A_13 {strides = array<i32>} : memref<2048x8xf32, #tpu.memory_space<vmem>>, vector<2048x8xf32>,
    %reduce_max3A = arith.constant dense<0xFF800000> : vector<2048xf32>
    %reduce_max3A_16 = vector.multi_reduction <maximumf>, %add3A_13, %reduce_max3A [1] : vector<2048x8xf32> to vector<2048xf32>
    %broadcast_in_dim3A = vector.shape_cast %reduce_max3A_16 : vector<2048xf32> to vector<2048x1xf32>
    %sub3A = vector.broadcast %broadcast_in_dim3A : vector<2048x1xf32> to vector<2048x8xf32>
    %sub3A_17 = arith.subf %add3A_13, %sub3A : vector<2048x8xf32>
    %exp3A = math.exp %sub3A_17 : vector<2048x8xf32>
    %reduce_sum3A = arith.constant dense<0.000000e+00> : vector<2048xf32>
    %reduce_sum3A_18 = vector.multi_reduction <add>, %exp3A, %reduce_sum3A [1] : vector<2048x8xf32> to vector<2048xf32>
    %broadcast_in_dim3A_19 = vector.shape_cast %reduce_sum3A_18 : vector<2048xf32> to vector<2048x1xf32>
    %div3A = vector.broadcast %broadcast_in_dim3A_19 : vector<2048x1xf32> to vector<2048x8xf32>
    %div3A_20 = arith.divf %exp3A, %div3A : vector<2048x8xf32>
    %iota3A = tpu.iota {dimensions = array<i32: 1>} : vector<2048x8xi32>
    %reduce_max3A_21 = arith.constant dense<0xFF800000> : vector<2048xf32>
    %reduce_max3A_22 = vector.multi_reduction <maximumf>, %div3A_20, %reduce_max3A_21 [1] : vector<2048x8xf32> to vector<2048xf32>
    %broadcast_in_dim3A_23 = vector.shape_cast %reduce_max3A_22 : vector<2048xf32> to vector<2048x1xf32>
    %eq3A = vector.broadcast %broadcast_in_dim3A_23 : vector<2048x1xf32> to vector<2048x8xf32>
    %eq3A_24 = arith.cmpf oeq, %div3A_20, %eq3A : vector<2048x8xf32>
    %jit3A = arith.constant 8 : i32
    %broadcast_in_dim3A_25 = vector.broadcast %jit3A : i32 to vector<2048x8xi32>
    %select_n3A = arith.select %eq3A_24, %iota3A, %broadcast_in_dim3A_25 : vector<2048x8xi1>, vector<2048x8xi32>
    %reduce_min3A = arith.constant dense<2147483647> : vector<2048xi32>
    %reduce_min3A_26 = vector.multi_reduction <minsi>, %select_n3A, %reduce_min3A [1] : vector<2048x8xi32> to vector<2048xi32>
    %broadcast_in_dim3A_27 = vector.shape_cast %reduce_min3A_26 : vector<2048xi32> to vector<2048x1xi32>
    %eq3A_28 = vector.broadcast %broadcast_in_dim3A_27 : vector<2048x1xi32> to vector<2048x8xi32>
    %eq3A_29 = arith.cmpi eq, %iota3A, %eq3A_28 : vector<2048x8xi32>
    %jit3A_30 = arith.constant -1.000000e+00 : f32
    %broadcast_in_dim3A_31 = vector.broadcast %jit3A_30 : f32 to vector<2048x8xf32>
    %select_n3A_32 = arith.select %eq3A_29, %broadcast_in_dim3A_31, %div3A_20 : vector<2048x8xi1>, vector<2048x8xf32>
    %reduce_max3A_33 = arith.constant dense<0xFF800000> : vector<2048xf32>
    %reduce_max3A_34 = vector.multi_reduction <maximumf>, %select_n3A_32, %reduce_max3A_33 [1] : vector<2048x8xf32> to vector<2048xf32>
    %broadcast_in_dim3A_35 = vector.shape_cast %reduce_max3A_34 : vector<2048xf32> to vector<2048x1xf32>
    %eq3A_36 = vector.broadcast %broadcast_in_dim3A_35 : vector<2048x1xf32> to vector<2048x8xf32>
    %eq3A_37 = arith.cmpf oeq, %select_n3A_32, %eq3A_36 : vector<2048x8xf32>
    %jit3A_38 = arith.constant 8 : i32
    %broadcast_in_dim3A_39 = vector.broadcast %jit3A_38 : i32 to vector<2048x8xi32>
    %select_n3A_40 = arith.select %eq3A_37, %iota3A, %broadcast_in_dim3A_39 : vector<2048x8xi1>, vector<2048x8xi32>
    %reduce_min3A_41 = arith.constant dense<2147483647> : vector<2048xi32>
    %reduce_min3A_42 = vector.multi_reduction <minsi>, %select_n3A_40, %reduce_min3A_41 [1] : vector<2048x8xi32> to vector<2048xi32>
    %broadcast_in_dim3A_43 = vector.shape_cast %reduce_min3A_42 : vector<2048xi32> to vector<2048x1xi32>
    %add3A_44 = arith.addf %broadcast_in_dim3A_23, %broadcast_in_dim3A_35 : vector<2048x1xf32>
    %concatenate3A = tpu.concatenate %broadcast_in_dim3A_27, %broadcast_in_dim3A_43 in 1 : vector<2048x1xi32>, vector<2048x1xi32> -> vector<2048x2xi32>
    %swap3A_45 = arith.constant 0 : index
    %swap3A_46 = arith.constant 0 : index
    %swap3A_47 = vector.load %arg5[%swap3A_45, %swap3A_46] : memref<2048x2xi32, #tpu.memory_space<vmem>>, vector<2048x2xi32>
    tpu.vector_store %arg5[%swap3A_45, %swap3A_46], %concatenate3A {strides = array<i32>} : memref<2048x2xi32, #tpu.memory_space<vmem>>, vector<2048x2xi32>,
    %div3A_48 = arith.divf %broadcast_in_dim3A_23, %add3A_44 : vector<2048x1xf32>
    %div3A_49 = arith.divf %broadcast_in_dim3A_35, %add3A_44 : vector<2048x1xf32>
    %concatenate3A_50 = tpu.concatenate %div3A_48, %div3A_49 in 1 : vector<2048x1xf32>, vector<2048x1xf32> -> vector<2048x2xf32>
    %swap3A_51 = arith.constant 0 : index
    %swap3A_52 = arith.constant 0 : index
    %swap3A_53 = vector.load %arg6[%swap3A_51, %swap3A_52] : memref<2048x2xf32, #tpu.memory_space<vmem>>, vector<2048x2xf32>
    tpu.vector_store %arg6[%swap3A_51, %swap3A_52], %concatenate3A_50 {strides = array<i32>} : memref<2048x2xf32, #tpu.memory_space<vmem>>, vector<2048x2xf32>,
    %eq3A_54 = vector.broadcast %broadcast_in_dim3A_27 : vector<2048x1xi32> to vector<2048x8xi32>
    %eq3A_55 = arith.cmpi eq, %iota3A, %eq3A_54 : vector<2048x8xi32>
    %jit3A_56 = arith.constant 1.000000e+00 : f32
    %jit3A_57 = arith.constant 0.000000e+00 : f32
    %broadcast_in_dim3A_58 = vector.broadcast %jit3A_56 : f32 to vector<2048x8xf32>
    %broadcast_in_dim3A_59 = vector.broadcast %jit3A_57 : f32 to vector<2048x8xf32>
    %select_n3A_60 = arith.select %eq3A_55, %broadcast_in_dim3A_58, %broadcast_in_dim3A_59 : vector<2048x8xi1>, vector<2048x8xf32>
    %eq3A_61 = vector.broadcast %broadcast_in_dim3A_43 : vector<2048x1xi32> to vector<2048x8xi32>
    %eq3A_62 = arith.cmpi eq, %iota3A, %eq3A_61 : vector<2048x8xi32>
    %jit3A_63 = arith.constant 1.000000e+00 : f32
    %jit3A_64 = arith.constant 0.000000e+00 : f32
    %broadcast_in_dim3A_65 = vector.broadcast %jit3A_63 : f32 to vector<2048x8xf32>
    %broadcast_in_dim3A_66 = vector.broadcast %jit3A_64 : f32 to vector<2048x8xf32>
    %select_n3A_67 = arith.select %eq3A_62, %broadcast_in_dim3A_65, %broadcast_in_dim3A_66 : vector<2048x8xi1>, vector<2048x8xf32>
    %add3A_68 = arith.addf %select_n3A_60, %select_n3A_67 : vector<2048x8xf32>
    %iota3A_69 = tpu.iota {dimensions = array<i32: 0>} : vector<128x128xi32>
    %iota3A_70 = tpu.iota {dimensions = array<i32: 1>} : vector<128x128xi32>
    %gt3A = arith.cmpi sgt, %iota3A_69, %iota3A_70 : vector<128x128xi32>
    %jit3A_71 = arith.constant 1.000000e+00 : f32
    %jit3A_72 = arith.constant 0.000000e+00 : f32
    %broadcast_in_dim3A_73 = vector.broadcast %jit3A_71 : f32 to vector<128x128xf32>
    %broadcast_in_dim3A_74 = vector.broadcast %jit3A_72 : f32 to vector<128x128xf32>
    %select_n3A_75 = arith.select %gt3A, %broadcast_in_dim3A_73, %broadcast_in_dim3A_74 : vector<128x128xi1>, vector<128x128xf32>
    %broadcast_in_dim3A_76 = arith.constant 0.000000e+00 : f32
    %broadcast_in_dim3A_77 = vector.broadcast %broadcast_in_dim3A_76 : f32 to vector<1x8xf32>
    %slice3A = vector.extract_strided_slice %add3A_68 {offsets = [0, 0], sizes = [128, 8], strides = [1, 1]} : vector<2048x8xf32> to vector<128x8xf32>
    %dot_general3A_78 = arith.constant dense<0.000000e+00> : vector<128x8xf32>
    %dot_general3A_79 = tpu.matmul %select_n3A_75, %slice3A, %dot_general3A_78 {dimension_numbers = #tpu.dot_dimension_numbers<[1], [0], [0], [1], [0, 0, 1, 1], [], []>, transpose_lhs_hint = false} : vector<128x128xf32>, vector<128x8xf32>, vector<128x8xf32> -> vector<128x8xf32>
    %add3A_80 = vector.broadcast %broadcast_in_dim3A_77 : vector<1x8xf32> to vector<128x8xf32>
    %add3A_81 = arith.addf %dot_general3A_79, %add3A_80 : vector<128x8xf32>
    %reduce_sum3A_82 = arith.constant dense<0.000000e+00> : vector<8xf32>
    %reduce_sum3A_83 = vector.multi_reduction <add>, %slice3A, %reduce_sum3A_82 [0] : vector<128x8xf32> to vector<8xf32>
    %broadcast_in_dim3A_84 = vector.shape_cast %reduce_sum3A_83 : vector<8xf32> to vector<1x8xf32>
    %add3A_85 = arith.addf %broadcast_in_dim3A_77, %broadcast_in_dim3A_84 : vector<1x8xf32>
    %slice3A_86 = vector.extract_strided_slice %add3A_68 {offsets = [128, 0], sizes = [128, 8], strides = [1, 1]} : vector<2048x8xf32> to vector<128x8xf32>
    %dot_general3A_87 = arith.constant dense<0.000000e+00> : vector<128x8xf32>
    %dot_general3A_88 = tpu.matmul %select_n3A_75, %slice3A_86, %dot_general3A_87 {dimension_numbers = #tpu.dot_dimension_numbers<[1], [0], [0], [1], [0, 0, 1, 1], [], []>, transpose_lhs_hint = false} : vector<128x128xf32>, vector<128x8xf32>, vector<128x8xf32> -> vector<128x8xf32>
    %add3A_89 = vector.broadcast %add3A_85 : vector<1x8xf32> to vector<128x8xf32>
    %add3A_90 = arith.addf %dot_general3A_88, %add3A_89 : vector<128x8xf32>
    %reduce_sum3A_91 = arith.constant dense<0.000000e+00> : vector<8xf32>
    %reduce_sum3A_92 = vector.multi_reduction <add>, %slice3A_86, %reduce_sum3A_91 [0] : vector<128x8xf32> to vector<8xf32>
    %broadcast_in_dim3A_93 = vector.shape_cast %reduce_sum3A_92 : vector<8xf32> to vector<1x8xf32>
    %add3A_94 = arith.addf %add3A_85, %broadcast_in_dim3A_93 : vector<1x8xf32>
    %slice3A_95 = vector.extract_strided_slice %add3A_68 {offsets = [256, 0], sizes = [128, 8], strides = [1, 1]} : vector<2048x8xf32> to vector<128x8xf32>
    %dot_general3A_96 = arith.constant dense<0.000000e+00> : vector<128x8xf32>
    %dot_general3A_97 = tpu.matmul %select_n3A_75, %slice3A_95, %dot_general3A_96 {dimension_numbers = #tpu.dot_dimension_numbers<[1], [0], [0], [1], [0, 0, 1, 1], [], []>, transpose_lhs_hint = false} : vector<128x128xf32>, vector<128x8xf32>, vector<128x8xf32> -> vector<128x8xf32>
    %add3A_98 = vector.broadcast %add3A_94 : vector<1x8xf32> to vector<128x8xf32>
    %add3A_99 = arith.addf %dot_general3A_97, %add3A_98 : vector<128x8xf32>
    %reduce_sum3A_100 = arith.constant dense<0.000000e+00> : vector<8xf32>
    %reduce_sum3A_101 = vector.multi_reduction <add>, %slice3A_95, %reduce_sum3A_100 [0] : vector<128x8xf32> to vector<8xf32>
    %broadcast_in_dim3A_102 = vector.shape_cast %reduce_sum3A_101 : vector<8xf32> to vector<1x8xf32>
    %add3A_103 = arith.addf %add3A_94, %broadcast_in_dim3A_102 : vector<1x8xf32>
    %slice3A_104 = vector.extract_strided_slice %add3A_68 {offsets = [384, 0], sizes = [128, 8], strides = [1, 1]} : vector<2048x8xf32> to vector<128x8xf32>
    %dot_general3A_105 = arith.constant dense<0.000000e+00> : vector<128x8xf32>
    %dot_general3A_106 = tpu.matmul %select_n3A_75, %slice3A_104, %dot_general3A_105 {dimension_numbers = #tpu.dot_dimension_numbers<[1], [0], [0], [1], [0, 0, 1, 1], [], []>, transpose_lhs_hint = false} : vector<128x128xf32>, vector<128x8xf32>, vector<128x8xf32> -> vector<128x8xf32>
    %add3A_107 = vector.broadcast %add3A_103 : vector<1x8xf32> to vector<128x8xf32>
    %add3A_108 = arith.addf %dot_general3A_106, %add3A_107 : vector<128x8xf32>
    %reduce_sum3A_109 = arith.constant dense<0.000000e+00> : vector<8xf32>
    %reduce_sum3A_110 = vector.multi_reduction <add>, %slice3A_104, %reduce_sum3A_109 [0] : vector<128x8xf32> to vector<8xf32>
    %broadcast_in_dim3A_111 = vector.shape_cast %reduce_sum3A_110 : vector<8xf32> to vector<1x8xf32>
    %add3A_112 = arith.addf %add3A_103, %broadcast_in_dim3A_111 : vector<1x8xf32>
    %slice3A_113 = vector.extract_strided_slice %add3A_68 {offsets = [512, 0], sizes = [128, 8], strides = [1, 1]} : vector<2048x8xf32> to vector<128x8xf32>
    %dot_general3A_114 = arith.constant dense<0.000000e+00> : vector<128x8xf32>
    %dot_general3A_115 = tpu.matmul %select_n3A_75, %slice3A_113, %dot_general3A_114 {dimension_numbers = #tpu.dot_dimension_numbers<[1], [0], [0], [1], [0, 0, 1, 1], [], []>, transpose_lhs_hint = false} : vector<128x128xf32>, vector<128x8xf32>, vector<128x8xf32> -> vector<128x8xf32>
    %add3A_116 = vector.broadcast %add3A_112 : vector<1x8xf32> to vector<128x8xf32>
    %add3A_117 = arith.addf %dot_general3A_115, %add3A_116 : vector<128x8xf32>
    %reduce_sum3A_118 = arith.constant dense<0.000000e+00> : vector<8xf32>
    %reduce_sum3A_119 = vector.multi_reduction <add>, %slice3A_113, %reduce_sum3A_118 [0] : vector<128x8xf32> to vector<8xf32>
    %broadcast_in_dim3A_120 = vector.shape_cast %reduce_sum3A_119 : vector<8xf32> to vector<1x8xf32>
    %add3A_121 = arith.addf %add3A_112, %broadcast_in_dim3A_120 : vector<1x8xf32>
    %slice3A_122 = vector.extract_strided_slice %add3A_68 {offsets = [640, 0], sizes = [128, 8], strides = [1, 1]} : vector<2048x8xf32> to vector<128x8xf32>
    %dot_general3A_123 = arith.constant dense<0.000000e+00> : vector<128x8xf32>
    %dot_general3A_124 = tpu.matmul %select_n3A_75, %slice3A_122, %dot_general3A_123 {dimension_numbers = #tpu.dot_dimension_numbers<[1], [0], [0], [1], [0, 0, 1, 1], [], []>, transpose_lhs_hint = false} : vector<128x128xf32>, vector<128x8xf32>, vector<128x8xf32> -> vector<128x8xf32>
    %add3A_125 = vector.broadcast %add3A_121 : vector<1x8xf32> to vector<128x8xf32>
    %add3A_126 = arith.addf %dot_general3A_124, %add3A_125 : vector<128x8xf32>
    %reduce_sum3A_127 = arith.constant dense<0.000000e+00> : vector<8xf32>
    %reduce_sum3A_128 = vector.multi_reduction <add>, %slice3A_122, %reduce_sum3A_127 [0] : vector<128x8xf32> to vector<8xf32>
    %broadcast_in_dim3A_129 = vector.shape_cast %reduce_sum3A_128 : vector<8xf32> to vector<1x8xf32>
    %add3A_130 = arith.addf %add3A_121, %broadcast_in_dim3A_129 : vector<1x8xf32>
    %slice3A_131 = vector.extract_strided_slice %add3A_68 {offsets = [768, 0], sizes = [128, 8], strides = [1, 1]} : vector<2048x8xf32> to vector<128x8xf32>
    %dot_general3A_132 = arith.constant dense<0.000000e+00> : vector<128x8xf32>
    %dot_general3A_133 = tpu.matmul %select_n3A_75, %slice3A_131, %dot_general3A_132 {dimension_numbers = #tpu.dot_dimension_numbers<[1], [0], [0], [1], [0, 0, 1, 1], [], []>, transpose_lhs_hint = false} : vector<128x128xf32>, vector<128x8xf32>, vector<128x8xf32> -> vector<128x8xf32>
    %add3A_134 = vector.broadcast %add3A_130 : vector<1x8xf32> to vector<128x8xf32>
    %add3A_135 = arith.addf %dot_general3A_133, %add3A_134 : vector<128x8xf32>
    %reduce_sum3A_136 = arith.constant dense<0.000000e+00> : vector<8xf32>
    %reduce_sum3A_137 = vector.multi_reduction <add>, %slice3A_131, %reduce_sum3A_136 [0] : vector<128x8xf32> to vector<8xf32>
    %broadcast_in_dim3A_138 = vector.shape_cast %reduce_sum3A_137 : vector<8xf32> to vector<1x8xf32>
    %add3A_139 = arith.addf %add3A_130, %broadcast_in_dim3A_138 : vector<1x8xf32>
    %slice3A_140 = vector.extract_strided_slice %add3A_68 {offsets = [896, 0], sizes = [128, 8], strides = [1, 1]} : vector<2048x8xf32> to vector<128x8xf32>
    %dot_general3A_141 = arith.constant dense<0.000000e+00> : vector<128x8xf32>
    %dot_general3A_142 = tpu.matmul %select_n3A_75, %slice3A_140, %dot_general3A_141 {dimension_numbers = #tpu.dot_dimension_numbers<[1], [0], [0], [1], [0, 0, 1, 1], [], []>, transpose_lhs_hint = false} : vector<128x128xf32>, vector<128x8xf32>, vector<128x8xf32> -> vector<128x8xf32>
    %add3A_143 = vector.broadcast %add3A_139 : vector<1x8xf32> to vector<128x8xf32>
    %add3A_144 = arith.addf %dot_general3A_142, %add3A_143 : vector<128x8xf32>
    %reduce_sum3A_145 = arith.constant dense<0.000000e+00> : vector<8xf32>
    %reduce_sum3A_146 = vector.multi_reduction <add>, %slice3A_140, %reduce_sum3A_145 [0] : vector<128x8xf32> to vector<8xf32>
    %broadcast_in_dim3A_147 = vector.shape_cast %reduce_sum3A_146 : vector<8xf32> to vector<1x8xf32>
    %add3A_148 = arith.addf %add3A_139, %broadcast_in_dim3A_147 : vector<1x8xf32>
    %slice3A_149 = vector.extract_strided_slice %add3A_68 {offsets = [1024, 0], sizes = [128, 8], strides = [1, 1]} : vector<2048x8xf32> to vector<128x8xf32>
    %dot_general3A_150 = arith.constant dense<0.000000e+00> : vector<128x8xf32>
    %dot_general3A_151 = tpu.matmul %select_n3A_75, %slice3A_149, %dot_general3A_150 {dimension_numbers = #tpu.dot_dimension_numbers<[1], [0], [0], [1], [0, 0, 1, 1], [], []>, transpose_lhs_hint = false} : vector<128x128xf32>, vector<128x8xf32>, vector<128x8xf32> -> vector<128x8xf32>
    %add3A_152 = vector.broadcast %add3A_148 : vector<1x8xf32> to vector<128x8xf32>
    %add3A_153 = arith.addf %dot_general3A_151, %add3A_152 : vector<128x8xf32>
    %reduce_sum3A_154 = arith.constant dense<0.000000e+00> : vector<8xf32>
    %reduce_sum3A_155 = vector.multi_reduction <add>, %slice3A_149, %reduce_sum3A_154 [0] : vector<128x8xf32> to vector<8xf32>
    %broadcast_in_dim3A_156 = vector.shape_cast %reduce_sum3A_155 : vector<8xf32> to vector<1x8xf32>
    %add3A_157 = arith.addf %add3A_148, %broadcast_in_dim3A_156 : vector<1x8xf32>
    %slice3A_158 = vector.extract_strided_slice %add3A_68 {offsets = [1152, 0], sizes = [128, 8], strides = [1, 1]} : vector<2048x8xf32> to vector<128x8xf32>
    %dot_general3A_159 = arith.constant dense<0.000000e+00> : vector<128x8xf32>
    %dot_general3A_160 = tpu.matmul %select_n3A_75, %slice3A_158, %dot_general3A_159 {dimension_numbers = #tpu.dot_dimension_numbers<[1], [0], [0], [1], [0, 0, 1, 1], [], []>, transpose_lhs_hint = false} : vector<128x128xf32>, vector<128x8xf32>, vector<128x8xf32> -> vector<128x8xf32>
    %add3A_161 = vector.broadcast %add3A_157 : vector<1x8xf32> to vector<128x8xf32>
    %add3A_162 = arith.addf %dot_general3A_160, %add3A_161 : vector<128x8xf32>
    %reduce_sum3A_163 = arith.constant dense<0.000000e+00> : vector<8xf32>
    %reduce_sum3A_164 = vector.multi_reduction <add>, %slice3A_158, %reduce_sum3A_163 [0] : vector<128x8xf32> to vector<8xf32>
    %broadcast_in_dim3A_165 = vector.shape_cast %reduce_sum3A_164 : vector<8xf32> to vector<1x8xf32>
    %add3A_166 = arith.addf %add3A_157, %broadcast_in_dim3A_165 : vector<1x8xf32>
    %slice3A_167 = vector.extract_strided_slice %add3A_68 {offsets = [1280, 0], sizes = [128, 8], strides = [1, 1]} : vector<2048x8xf32> to vector<128x8xf32>
    %dot_general3A_168 = arith.constant dense<0.000000e+00> : vector<128x8xf32>
    %dot_general3A_169 = tpu.matmul %select_n3A_75, %slice3A_167, %dot_general3A_168 {dimension_numbers = #tpu.dot_dimension_numbers<[1], [0], [0], [1], [0, 0, 1, 1], [], []>, transpose_lhs_hint = false} : vector<128x128xf32>, vector<128x8xf32>, vector<128x8xf32> -> vector<128x8xf32>
    %add3A_170 = vector.broadcast %add3A_166 : vector<1x8xf32> to vector<128x8xf32>
    %add3A_171 = arith.addf %dot_general3A_169, %add3A_170 : vector<128x8xf32>
    %reduce_sum3A_172 = arith.constant dense<0.000000e+00> : vector<8xf32>
    %reduce_sum3A_173 = vector.multi_reduction <add>, %slice3A_167, %reduce_sum3A_172 [0] : vector<128x8xf32> to vector<8xf32>
    %broadcast_in_dim3A_174 = vector.shape_cast %reduce_sum3A_173 : vector<8xf32> to vector<1x8xf32>
    %add3A_175 = arith.addf %add3A_166, %broadcast_in_dim3A_174 : vector<1x8xf32>
    %slice3A_176 = vector.extract_strided_slice %add3A_68 {offsets = [1408, 0], sizes = [128, 8], strides = [1, 1]} : vector<2048x8xf32> to vector<128x8xf32>
    %dot_general3A_177 = arith.constant dense<0.000000e+00> : vector<128x8xf32>
    %dot_general3A_178 = tpu.matmul %select_n3A_75, %slice3A_176, %dot_general3A_177 {dimension_numbers = #tpu.dot_dimension_numbers<[1], [0], [0], [1], [0, 0, 1, 1], [], []>, transpose_lhs_hint = false} : vector<128x128xf32>, vector<128x8xf32>, vector<128x8xf32> -> vector<128x8xf32>
    %add3A_179 = vector.broadcast %add3A_175 : vector<1x8xf32> to vector<128x8xf32>
    %add3A_180 = arith.addf %dot_general3A_178, %add3A_179 : vector<128x8xf32>
    %reduce_sum3A_181 = arith.constant dense<0.000000e+00> : vector<8xf32>
    %reduce_sum3A_182 = vector.multi_reduction <add>, %slice3A_176, %reduce_sum3A_181 [0] : vector<128x8xf32> to vector<8xf32>
    %broadcast_in_dim3A_183 = vector.shape_cast %reduce_sum3A_182 : vector<8xf32> to vector<1x8xf32>
    %add3A_184 = arith.addf %add3A_175, %broadcast_in_dim3A_183 : vector<1x8xf32>
    %slice3A_185 = vector.extract_strided_slice %add3A_68 {offsets = [1536, 0], sizes = [128, 8], strides = [1, 1]} : vector<2048x8xf32> to vector<128x8xf32>
    %dot_general3A_186 = arith.constant dense<0.000000e+00> : vector<128x8xf32>
    %dot_general3A_187 = tpu.matmul %select_n3A_75, %slice3A_185, %dot_general3A_186 {dimension_numbers = #tpu.dot_dimension_numbers<[1], [0], [0], [1], [0, 0, 1, 1], [], []>, transpose_lhs_hint = false} : vector<128x128xf32>, vector<128x8xf32>, vector<128x8xf32> -> vector<128x8xf32>
    %add3A_188 = vector.broadcast %add3A_184 : vector<1x8xf32> to vector<128x8xf32>
    %add3A_189 = arith.addf %dot_general3A_187, %add3A_188 : vector<128x8xf32>
    %reduce_sum3A_190 = arith.constant dense<0.000000e+00> : vector<8xf32>
    %reduce_sum3A_191 = vector.multi_reduction <add>, %slice3A_185, %reduce_sum3A_190 [0] : vector<128x8xf32> to vector<8xf32>
    %broadcast_in_dim3A_192 = vector.shape_cast %reduce_sum3A_191 : vector<8xf32> to vector<1x8xf32>
    %add3A_193 = arith.addf %add3A_184, %broadcast_in_dim3A_192 : vector<1x8xf32>
    %slice3A_194 = vector.extract_strided_slice %add3A_68 {offsets = [1664, 0], sizes = [128, 8], strides = [1, 1]} : vector<2048x8xf32> to vector<128x8xf32>
    %dot_general3A_195 = arith.constant dense<0.000000e+00> : vector<128x8xf32>
    %dot_general3A_196 = tpu.matmul %select_n3A_75, %slice3A_194, %dot_general3A_195 {dimension_numbers = #tpu.dot_dimension_numbers<[1], [0], [0], [1], [0, 0, 1, 1], [], []>, transpose_lhs_hint = false} : vector<128x128xf32>, vector<128x8xf32>, vector<128x8xf32> -> vector<128x8xf32>
    %add3A_197 = vector.broadcast %add3A_193 : vector<1x8xf32> to vector<128x8xf32>
    %add3A_198 = arith.addf %dot_general3A_196, %add3A_197 : vector<128x8xf32>
    %reduce_sum3A_199 = arith.constant dense<0.000000e+00> : vector<8xf32>
    %reduce_sum3A_200 = vector.multi_reduction <add>, %slice3A_194, %reduce_sum3A_199 [0] : vector<128x8xf32> to vector<8xf32>
    %broadcast_in_dim3A_201 = vector.shape_cast %reduce_sum3A_200 : vector<8xf32> to vector<1x8xf32>
    %add3A_202 = arith.addf %add3A_193, %broadcast_in_dim3A_201 : vector<1x8xf32>
    %slice3A_203 = vector.extract_strided_slice %add3A_68 {offsets = [1792, 0], sizes = [128, 8], strides = [1, 1]} : vector<2048x8xf32> to vector<128x8xf32>
    %dot_general3A_204 = arith.constant dense<0.000000e+00> : vector<128x8xf32>
    %dot_general3A_205 = tpu.matmul %select_n3A_75, %slice3A_203, %dot_general3A_204 {dimension_numbers = #tpu.dot_dimension_numbers<[1], [0], [0], [1], [0, 0, 1, 1], [], []>, transpose_lhs_hint = false} : vector<128x128xf32>, vector<128x8xf32>, vector<128x8xf32> -> vector<128x8xf32>
    %add3A_206 = vector.broadcast %add3A_202 : vector<1x8xf32> to vector<128x8xf32>
    %add3A_207 = arith.addf %dot_general3A_205, %add3A_206 : vector<128x8xf32>
    %reduce_sum3A_208 = arith.constant dense<0.000000e+00> : vector<8xf32>
    %reduce_sum3A_209 = vector.multi_reduction <add>, %slice3A_203, %reduce_sum3A_208 [0] : vector<128x8xf32> to vector<8xf32>
    %broadcast_in_dim3A_210 = vector.shape_cast %reduce_sum3A_209 : vector<8xf32> to vector<1x8xf32>
    %add3A_211 = arith.addf %add3A_202, %broadcast_in_dim3A_210 : vector<1x8xf32>
    %slice3A_212 = vector.extract_strided_slice %add3A_68 {offsets = [1920, 0], sizes = [128, 8], strides = [1, 1]} : vector<2048x8xf32> to vector<128x8xf32>
    %dot_general3A_213 = arith.constant dense<0.000000e+00> : vector<128x8xf32>
    %dot_general3A_214 = tpu.matmul %select_n3A_75, %slice3A_212, %dot_general3A_213 {dimension_numbers = #tpu.dot_dimension_numbers<[1], [0], [0], [1], [0, 0, 1, 1], [], []>, transpose_lhs_hint = false} : vector<128x128xf32>, vector<128x8xf32>, vector<128x8xf32> -> vector<128x8xf32>
    %add3A_215 = vector.broadcast %add3A_211 : vector<1x8xf32> to vector<128x8xf32>
    %add3A_216 = arith.addf %dot_general3A_214, %add3A_215 : vector<128x8xf32>
    %reduce_sum3A_217 = arith.constant dense<0.000000e+00> : vector<8xf32>
    %reduce_sum3A_218 = vector.multi_reduction <add>, %slice3A_212, %reduce_sum3A_217 [0] : vector<128x8xf32> to vector<8xf32>
    %broadcast_in_dim3A_219 = vector.shape_cast %reduce_sum3A_218 : vector<8xf32> to vector<1x8xf32>
    %add3A_220 = arith.addf %add3A_211, %broadcast_in_dim3A_219 : vector<1x8xf32>
    %concatenate3A_221 = tpu.concatenate %add3A_81, %add3A_90, %add3A_99, %add3A_108, %add3A_117, %add3A_126, %add3A_135, %add3A_144, %add3A_153, %add3A_162, %add3A_171, %add3A_180, %add3A_189, %add3A_198, %add3A_207, %add3A_216 in 0 : vector<128x8xf32>, vector<128x8xf32>, vector<128x8xf32>, vector<128x8xf32>, vector<128x8xf32>, vector<128x8xf32>, vector<128x8xf32>, vector<128x8xf32>, vector<128x8xf32>, vector<128x8xf32>, vector<128x8xf32>, vector<128x8xf32>, vector<128x8xf32>, vector<128x8xf32>, vector<128x8xf32>, vector<128x8xf32> -> vector<2048x8xf32>
    %broadcast_in_dim3A_222 = arith.constant 0.000000e+00 : f32
    %broadcast_in_dim3A_223 = vector.broadcast %broadcast_in_dim3A_222 : f32 to vector<1x1xf32>
    %slice3A_224 = vector.extract_strided_slice %add3A_220 {offsets = [0, 0], sizes = [1, 7], strides = [1, 1]} : vector<1x8xf32> to vector<1x7xf32>
    %concatenate3A_225 = tpu.concatenate %broadcast_in_dim3A_223, %slice3A_224 in 1 : vector<1x1xf32>, vector<1x7xf32> -> vector<1x8xf32>
    %slice3A_226 = vector.extract_strided_slice %concatenate3A_225 {offsets = [0, 0], sizes = [1, 7], strides = [1, 1]} : vector<1x8xf32> to vector<1x7xf32>
    %concatenate3A_227 = tpu.concatenate %broadcast_in_dim3A_223, %slice3A_226 in 1 : vector<1x1xf32>, vector<1x7xf32> -> vector<1x8xf32>
    %add3A_228 = arith.addf %concatenate3A_225, %concatenate3A_227 : vector<1x8xf32>
    %broadcast_in_dim3A_229 = arith.constant 0.000000e+00 : f32
    %broadcast_in_dim3A_230 = vector.broadcast %broadcast_in_dim3A_229 : f32 to vector<1x2xf32>
    %slice3A_231 = vector.extract_strided_slice %add3A_228 {offsets = [0, 0], sizes = [1, 6], strides = [1, 1]} : vector<1x8xf32> to vector<1x6xf32>
    %concatenate3A_232 = tpu.concatenate %broadcast_in_dim3A_230, %slice3A_231 in 1 : vector<1x2xf32>, vector<1x6xf32> -> vector<1x8xf32>
    %add3A_233 = arith.addf %add3A_228, %concatenate3A_232 : vector<1x8xf32>
    %broadcast_in_dim3A_234 = arith.constant 0.000000e+00 : f32
    %broadcast_in_dim3A_235 = vector.broadcast %broadcast_in_dim3A_234 : f32 to vector<1x4xf32>
    %slice3A_236 = vector.extract_strided_slice %add3A_233 {offsets = [0, 0], sizes = [1, 4], strides = [1, 1]} : vector<1x8xf32> to vector<1x4xf32>
    %concatenate3A_237 = tpu.concatenate %broadcast_in_dim3A_235, %slice3A_236 in 1 : vector<1x4xf32>, vector<1x4xf32> -> vector<1x8xf32>
    %add3A_238 = arith.addf %add3A_233, %concatenate3A_237 : vector<1x8xf32>
    %add3A_239 = vector.broadcast %add3A_238 : vector<1x8xf32> to vector<2048x8xf32>
    %add3A_240 = arith.addf %concatenate3A_221, %add3A_239 : vector<2048x8xf32>
    %eq3A_241 = vector.broadcast %broadcast_in_dim3A_27 : vector<2048x1xi32> to vector<2048x8xi32>
    %eq3A_242 = arith.cmpi eq, %iota3A, %eq3A_241 : vector<2048x8xi32>
    %jit3A_243 = arith.constant 0.000000e+00 : f32
    %broadcast_in_dim3A_244 = vector.broadcast %jit3A_243 : f32 to vector<2048x8xf32>
    %select_n3A_245 = arith.select %eq3A_242, %add3A_240, %broadcast_in_dim3A_244 : vector<2048x8xi1>, vector<2048x8xf32>
    %reduce_sum3A_246 = arith.constant dense<0.000000e+00> : vector<2048xf32>
    %reduce_sum3A_247 = vector.multi_reduction <add>, %select_n3A_245, %reduce_sum3A_246 [1] : vector<2048x8xf32> to vector<2048xf32>
    %broadcast_in_dim3A_248 = vector.shape_cast %reduce_sum3A_247 : vector<2048xf32> to vector<2048x1xf32>
    %eq3A_249 = vector.broadcast %broadcast_in_dim3A_43 : vector<2048x1xi32> to vector<2048x8xi32>
    %eq3A_250 = arith.cmpi eq, %iota3A, %eq3A_249 : vector<2048x8xi32>
    %jit3A_251 = arith.constant 0.000000e+00 : f32
    %broadcast_in_dim3A_252 = vector.broadcast %jit3A_251 : f32 to vector<2048x8xf32>
    %select_n3A_253 = arith.select %eq3A_250, %add3A_240, %broadcast_in_dim3A_252 : vector<2048x8xi1>, vector<2048x8xf32>
    %reduce_sum3A_254 = arith.constant dense<0.000000e+00> : vector<2048xf32>
    %reduce_sum3A_255 = vector.multi_reduction <add>, %select_n3A_253, %reduce_sum3A_254 [1] : vector<2048x8xf32> to vector<2048xf32>
    %broadcast_in_dim3A_256 = vector.shape_cast %reduce_sum3A_255 : vector<2048xf32> to vector<2048x1xf32>
    %convert_element_type3A = arith.fptosi %broadcast_in_dim3A_248 : vector<2048x1xf32> to vector<2048x1xi32>
    %swap3A_257 = arith.constant 0 : index
    %swap3A_258 = arith.constant 0 : index
    %swap3A_259 = vector.load %arg7[%swap3A_257, %swap3A_258] : memref<2048x1xi32, #tpu.memory_space<vmem>>, vector<2048x1xi32>
    tpu.vector_store %arg7[%swap3A_257, %swap3A_258], %convert_element_type3A {strides = array<i32>} : memref<2048x1xi32, #tpu.memory_space<vmem>>, vector<2048x1xi32>,
    %convert_element_type3A_260 = arith.fptosi %broadcast_in_dim3A_256 : vector<2048x1xf32> to vector<2048x1xi32>
    %swap3A_261 = arith.constant 0 : index
    %swap3A_262 = arith.constant 0 : index
    %swap3A_263 = vector.load %arg8[%swap3A_261, %swap3A_262] : memref<2048x1xi32, #tpu.memory_space<vmem>>, vector<2048x1xi32>
    tpu.vector_store %arg8[%swap3A_261, %swap3A_262], %convert_element_type3A_260 {strides = array<i32>} : memref<2048x1xi32, #tpu.memory_space<vmem>>, vector<2048x1xi32>,
    %slice3A_264 = vector.extract_strided_slice %add3A_238 {offsets = [0, 7], sizes = [1, 1], strides = [1, 1]} : vector<1x8xf32> to vector<1x1xf32>
    %slice3A_265 = vector.extract_strided_slice %add3A_220 {offsets = [0, 7], sizes = [1, 1], strides = [1, 1]} : vector<1x8xf32> to vector<1x1xf32>
    %add3A_266 = arith.addf %slice3A_264, %slice3A_265 : vector<1x1xf32>
    %broadcast_in_dim3A_267 = arith.constant 0.000000e+00 : f32
    %broadcast_in_dim3A_268 = vector.broadcast %broadcast_in_dim3A_267 : f32 to vector<1x7xf32>
    %concatenate3A_269 = tpu.concatenate %add3A_238, %add3A_266, %broadcast_in_dim3A_268 in 1 : vector<1x8xf32>, vector<1x1xf32>, vector<1x7xf32> -> vector<1x16xf32>
    %convert_element_type3A_270 = arith.fptosi %concatenate3A_269 : vector<1x16xf32> to vector<1x16xi32>
    %swap3A_271 = arith.constant 0 : index
    %swap3A_272 = arith.constant 0 : index
    %swap3A_273 = vector.load %arg9[%swap3A_271, %swap3A_272] : memref<1x16xi32, #tpu.memory_space<vmem>>, vector<1x16xi32>
    tpu.vector_store %arg9[%swap3A_271, %swap3A_272], %convert_element_type3A_270 {strides = array<i32>} : memref<1x16xi32, #tpu.memory_space<vmem>>, vector<1x16xi32>,
    return
  }
}

module attributes {stable_mosaic.version = 14 : i64} {
  func.func @_grouped_body(%arg0: i32, %arg1: i32, %arg2: memref<1x16xi32, #tpu.memory_space<smem>>, %arg3: memref<4096x768xf32, #tpu.memory_space<vmem>>, %arg4: memref<1x768x512xf32, #tpu.memory_space<vmem>>, %arg5: memref<1x1x512xf32, #tpu.memory_space<vmem>>, %arg6: memref<1x768x512xf32, #tpu.memory_space<vmem>>, %arg7: memref<1x1x512xf32, #tpu.memory_space<vmem>>, %arg8: memref<1x512x768xf32, #tpu.memory_space<vmem>>, %arg9: memref<1x1x768xf32, #tpu.memory_space<vmem>>, %arg10: memref<4096x768xf32, #tpu.memory_space<vmem>>) attributes {dimension_semantics = [#tpu.dimension_semantics<arbitrary>, #tpu.dimension_semantics<arbitrary>], iteration_bounds = array<i64: 8, 6>, scalar_prefetch = 1 : i64, scratch_operands = 0 : i64, tpu.core_type = #tpu.core_type<tc>, window_params = [{pipeline_mode = #tpu.pipeline_mode<synchronous>, transform_indices = @transform_0, window_bounds = array<i64: 4096, 768>}, {transform_indices = @transform_1, window_bounds = array<i64: 1, 768, 512>}, {transform_indices = @transform_2, window_bounds = array<i64: 1, 1, 512>}, {transform_indices = @transform_3, window_bounds = array<i64: 1, 768, 512>}, {transform_indices = @transform_4, window_bounds = array<i64: 1, 1, 512>}, {transform_indices = @transform_5, window_bounds = array<i64: 1, 512, 768>}, {transform_indices = @transform_6, window_bounds = array<i64: 1, 1, 768>}, {pipeline_mode = #tpu.pipeline_mode<synchronous>, transform_indices = @transform_7, window_bounds = array<i64: 4096, 768>}]} {
    %get3A = arith.constant 0 : index
    %get3A_0 = arith.index_cast %arg0 : i32 to index
    %get3A_1 = memref.load %arg2[%get3A, %get3A_0] : memref<1x16xi32, #tpu.memory_space<smem>>
    %add3A = arith.constant 1 : i32
    %add3A_2 = arith.addi %arg0, %add3A : i32
    %get3A_3 = arith.constant 0 : index
    %get3A_4 = arith.index_cast %add3A_2 : i32 to index
    %get3A_5 = memref.load %arg2[%get3A_3, %get3A_4] : memref<1x16xi32, #tpu.memory_space<smem>>
    %jit3A = arith.constant 256 : i32
    %div3A = arith.divsi %get3A_1, %jit3A : i32
    %sign3A = arith.constant 0 : i32
    %sign3A_6 = arith.cmpi sgt, %get3A_1, %sign3A : i32
    %sign3A_7 = arith.extui %sign3A_6 : i1 to i32
    %sign3A_8 = arith.constant 0 : i32
    %sign3A_9 = arith.cmpi slt, %get3A_1, %sign3A_8 : i32
    %sign3A_10 = arith.extui %sign3A_9 : i1 to i32
    %sign3A_11 = arith.subi %sign3A_7, %sign3A_10 : i32
    %sign3A_12 = arith.constant 0 : i32
    %sign3A_13 = arith.cmpi sgt, %jit3A, %sign3A_12 : i32
    %sign3A_14 = arith.extui %sign3A_13 : i1 to i32
    %sign3A_15 = arith.constant 0 : i32
    %sign3A_16 = arith.cmpi slt, %jit3A, %sign3A_15 : i32
    %sign3A_17 = arith.extui %sign3A_16 : i1 to i32
    %sign3A_18 = arith.subi %sign3A_14, %sign3A_17 : i32
    %ne3A = arith.cmpi ne, %sign3A_11, %sign3A_18 : i32
    %rem3A = arith.remsi %get3A_1, %jit3A : i32
    %ne3A_19 = arith.constant 0 : i32
    %ne3A_20 = arith.cmpi ne, %rem3A, %ne3A_19 : i32
    %and3A = arith.andi %ne3A, %ne3A_20 : i1
    %sub3A = arith.constant 1 : i32
    %sub3A_21 = arith.subi %div3A, %sub3A : i32
    %select_n3A = arith.select %and3A, %sub3A_21, %div3A : i32
    %gt3A = arith.cmpi sgt, %get3A_5, %get3A_1 : i32
    %add3A_22 = arith.constant 256 : i32
    %add3A_23 = arith.addi %get3A_5, %add3A_22 : i32
    %sub3A_24 = arith.constant 1 : i32
    %sub3A_25 = arith.subi %add3A_23, %sub3A_24 : i32
    %jit3A_26 = arith.constant 256 : i32
    %div3A_27 = arith.divsi %sub3A_25, %jit3A_26 : i32
    %sign3A_28 = arith.constant 0 : i32
    %sign3A_29 = arith.cmpi sgt, %sub3A_25, %sign3A_28 : i32
    %sign3A_30 = arith.extui %sign3A_29 : i1 to i32
    %sign3A_31 = arith.constant 0 : i32
    %sign3A_32 = arith.cmpi slt, %sub3A_25, %sign3A_31 : i32
    %sign3A_33 = arith.extui %sign3A_32 : i1 to i32
    %sign3A_34 = arith.subi %sign3A_30, %sign3A_33 : i32
    %sign3A_35 = arith.constant 0 : i32
    %sign3A_36 = arith.cmpi sgt, %jit3A_26, %sign3A_35 : i32
    %sign3A_37 = arith.extui %sign3A_36 : i1 to i32
    %sign3A_38 = arith.constant 0 : i32
    %sign3A_39 = arith.cmpi slt, %jit3A_26, %sign3A_38 : i32
    %sign3A_40 = arith.extui %sign3A_39 : i1 to i32
    %sign3A_41 = arith.subi %sign3A_37, %sign3A_40 : i32
    %ne3A_42 = arith.cmpi ne, %sign3A_34, %sign3A_41 : i32
    %rem3A_43 = arith.remsi %sub3A_25, %jit3A_26 : i32
    %ne3A_44 = arith.constant 0 : i32
    %ne3A_45 = arith.cmpi ne, %rem3A_43, %ne3A_44 : i32
    %and3A_46 = arith.andi %ne3A_42, %ne3A_45 : i1
    %sub3A_47 = arith.constant 1 : i32
    %sub3A_48 = arith.subi %div3A_27, %sub3A_47 : i32
    %select_n3A_49 = arith.select %and3A_46, %sub3A_48, %div3A_27 : i32
    %select_n3A_50 = arith.select %gt3A, %select_n3A_49, %select_n3A : i32
    %while3A = arith.constant 0 : i32
    %while3A_51 = arith.subi %select_n3A_50, %select_n3A : i32
    %while3A_52 = arith.addi %select_n3A, %while3A_51 : i32
    %while3A_53 = arith.constant 1 : i32
    %while3A_54 = arith.divsi %while3A_51, %while3A_53 : i32
    %while3A_55 = arith.muli %while3A_54, %while3A_53 : i32
    %while3A_56 = arith.addi %select_n3A, %while3A_55 : i32
    %while3A_57 = arith.constant 1 : i32
    scf.for %while3A_59 = %select_n3A to %while3A_56 step %while3A_57  : i32 {
      %mul3A = arith.constant 256 : i32
      %mul3A_60 = arith.muli %while3A_59, %mul3A : i32
      %get3A_61 = arith.index_cast %mul3A_60 : i32 to index
      %get3A_62 = arith.constant 0 : index
      %get3A_63 = vector.load %arg3[%get3A_61, %get3A_62] : memref<4096x768xf32, #tpu.memory_space<vmem>>, vector<256x768xf32>
      %get3A_64 = arith.constant 0 : index
      %get3A_65 = arith.constant 0 : index
      %get3A_66 = arith.constant 0 : index
      %get3A_67 = vector.load %arg4[%get3A_64, %get3A_65, %get3A_66] : memref<1x768x512xf32, #tpu.memory_space<vmem>>, vector<1x768x512xf32>
      %get3A_68 = vector.shape_cast %get3A_67 : vector<1x768x512xf32> to vector<768x512xf32>
      %dot_general3A = arith.constant dense<0.000000e+00> : vector<256x512xf32>
      %dot_general3A_69 = tpu.matmul %get3A_63, %get3A_68, %dot_general3A {dimension_numbers = #tpu.dot_dimension_numbers<[1], [0], [0], [1], [0, 0, 1, 1], [], []>, transpose_lhs_hint = false} : vector<256x768xf32>, vector<768x512xf32>, vector<256x512xf32> -> vector<256x512xf32>
      %get3A_70 = arith.constant 0 : index
      %get3A_71 = arith.constant 0 : index
      %get3A_72 = arith.constant 0 : index
      %get3A_73 = vector.load %arg5[%get3A_70, %get3A_71, %get3A_72] : memref<1x1x512xf32, #tpu.memory_space<vmem>>, vector<1x1x512xf32>
      %get3A_74 = vector.shape_cast %get3A_73 : vector<1x1x512xf32> to vector<1x512xf32>
      %add3A_75 = vector.broadcast %get3A_74 : vector<1x512xf32> to vector<256x512xf32>
      %add3A_76 = arith.addf %dot_general3A_69, %add3A_75 : vector<256x512xf32>
      %neg3A = arith.constant 0.000000e+00 : f32
      %neg3A_77 = vector.broadcast %neg3A : f32 to vector<256x512xf32>
      %neg3A_78 = arith.subf %neg3A_77, %add3A_76 : vector<256x512xf32>
      %exp3A = math.exp %neg3A_78 : vector<256x512xf32>
      %add3A_79 = arith.constant 1.000000e+00 : f32
      %add3A_80 = vector.broadcast %add3A_79 : f32 to vector<256x512xf32>
      %add3A_81 = arith.addf %add3A_80, %exp3A : vector<256x512xf32>
      %div3A_82 = arith.divf %add3A_76, %add3A_81 : vector<256x512xf32>
      %get3A_83 = arith.constant 0 : index
      %get3A_84 = arith.constant 0 : index
      %get3A_85 = arith.constant 0 : index
      %get3A_86 = vector.load %arg6[%get3A_83, %get3A_84, %get3A_85] : memref<1x768x512xf32, #tpu.memory_space<vmem>>, vector<1x768x512xf32>
      %get3A_87 = vector.shape_cast %get3A_86 : vector<1x768x512xf32> to vector<768x512xf32>
      %dot_general3A_88 = arith.constant dense<0.000000e+00> : vector<256x512xf32>
      %dot_general3A_89 = tpu.matmul %get3A_63, %get3A_87, %dot_general3A_88 {dimension_numbers = #tpu.dot_dimension_numbers<[1], [0], [0], [1], [0, 0, 1, 1], [], []>, transpose_lhs_hint = false} : vector<256x768xf32>, vector<768x512xf32>, vector<256x512xf32> -> vector<256x512xf32>
      %get3A_90 = arith.constant 0 : index
      %get3A_91 = arith.constant 0 : index
      %get3A_92 = arith.constant 0 : index
      %get3A_93 = vector.load %arg7[%get3A_90, %get3A_91, %get3A_92] : memref<1x1x512xf32, #tpu.memory_space<vmem>>, vector<1x1x512xf32>
      %get3A_94 = vector.shape_cast %get3A_93 : vector<1x1x512xf32> to vector<1x512xf32>
      %add3A_95 = vector.broadcast %get3A_94 : vector<1x512xf32> to vector<256x512xf32>
      %add3A_96 = arith.addf %dot_general3A_89, %add3A_95 : vector<256x512xf32>
      %mul3A_97 = arith.mulf %div3A_82, %add3A_96 : vector<256x512xf32>
      %get3A_98 = arith.constant 0 : index
      %get3A_99 = arith.constant 0 : index
      %get3A_100 = arith.constant 0 : index
      %get3A_101 = vector.load %arg8[%get3A_98, %get3A_99, %get3A_100] : memref<1x512x768xf32, #tpu.memory_space<vmem>>, vector<1x512x768xf32>
      %get3A_102 = vector.shape_cast %get3A_101 : vector<1x512x768xf32> to vector<512x768xf32>
      %dot_general3A_103 = arith.constant dense<0.000000e+00> : vector<256x768xf32>
      %dot_general3A_104 = tpu.matmul %mul3A_97, %get3A_102, %dot_general3A_103 {dimension_numbers = #tpu.dot_dimension_numbers<[1], [0], [0], [1], [0, 0, 1, 1], [], []>, transpose_lhs_hint = false} : vector<256x512xf32>, vector<512x768xf32>, vector<256x768xf32> -> vector<256x768xf32>
      %mul3A_105 = arith.constant 256 : i32
      %mul3A_106 = arith.muli %while3A_59, %mul3A_105 : i32
      %iota3A = tpu.iota {dimensions = array<i32: 0>} : vector<256x1xi32>
      %add3A_107 = vector.broadcast %mul3A_106 : i32 to vector<256x1xi32>
      %add3A_108 = arith.addi %add3A_107, %iota3A : vector<256x1xi32>
      %ge3A = vector.broadcast %get3A_1 : i32 to vector<256x1xi32>
      %ge3A_109 = arith.cmpi sge, %add3A_108, %ge3A : vector<256x1xi32>
      %lt3A = vector.broadcast %get3A_5 : i32 to vector<256x1xi32>
      %lt3A_110 = arith.cmpi slt, %add3A_108, %lt3A : vector<256x1xi32>
      %and3A_111 = arith.andi %ge3A_109, %lt3A_110 : vector<256x1xi1>
      %get3A_112 = arith.index_cast %mul3A_60 : i32 to index
      %get3A_113 = arith.constant 0 : index
      %get3A_114 = vector.load %arg10[%get3A_112, %get3A_113] : memref<4096x768xf32, #tpu.memory_space<vmem>>, vector<256x768xf32>
      %eq3A = arith.constant 0 : i32
      %eq3A_115 = arith.cmpi eq, %arg1, %eq3A : i32
      %add3A_116 = arith.addf %get3A_114, %dot_general3A_104 : vector<256x768xf32>
      %select_n3A_117 = arith.select %eq3A_115, %dot_general3A_104, %add3A_116 : vector<256x768xf32>
      %eq3A_118 = arith.constant 5 : i32
      %eq3A_119 = arith.cmpi eq, %arg1, %eq3A_118 : i32
      %get3A_120 = arith.constant 0 : index
      %get3A_121 = arith.constant 0 : index
      %get3A_122 = arith.constant 0 : index
      %get3A_123 = vector.load %arg9[%get3A_120, %get3A_121, %get3A_122] : memref<1x1x768xf32, #tpu.memory_space<vmem>>, vector<1x1x768xf32>
      %get3A_124 = vector.shape_cast %get3A_123 : vector<1x1x768xf32> to vector<1x768xf32>
      %add3A_125 = vector.broadcast %get3A_124 : vector<1x768xf32> to vector<256x768xf32>
      %add3A_126 = arith.addf %select_n3A_117, %add3A_125 : vector<256x768xf32>
      %select_n3A_127 = arith.select %eq3A_119, %add3A_126, %select_n3A_117 : vector<256x768xf32>
      %broadcast_in_dim3A = vector.shape_cast %and3A_111 : vector<256x1xi1> to vector<256x1xi1>
      %broadcast_in_dim3A_128 = vector.broadcast %broadcast_in_dim3A : vector<256x1xi1> to vector<256x768xi1>
      %select_n3A_129 = arith.select %broadcast_in_dim3A_128, %select_n3A_127, %get3A_114 : vector<256x768xi1>, vector<256x768xf32>
      %swap3A = arith.index_cast %mul3A_60 : i32 to index
      %swap3A_130 = arith.constant 0 : index
      %swap3A_131 = vector.load %arg10[%swap3A, %swap3A_130] : memref<4096x768xf32, #tpu.memory_space<vmem>>, vector<256x768xf32>
      tpu.vector_store %arg10[%swap3A, %swap3A_130], %select_n3A_129 {strides = array<i32>} : memref<4096x768xf32, #tpu.memory_space<vmem>>, vector<256x768xf32>,
    }
    %while3A_58 = arith.constant 1 : i32
    scf.for %while3A_59 = %while3A_56 to %while3A_52 step %while3A_58  : i32 {
      %mul3A = arith.constant 256 : i32
      %mul3A_60 = arith.muli %while3A_59, %mul3A : i32
      %get3A_61 = arith.index_cast %mul3A_60 : i32 to index
      %get3A_62 = arith.constant 0 : index
      %get3A_63 = vector.load %arg3[%get3A_61, %get3A_62] : memref<4096x768xf32, #tpu.memory_space<vmem>>, vector<256x768xf32>
      %get3A_64 = arith.constant 0 : index
      %get3A_65 = arith.constant 0 : index
      %get3A_66 = arith.constant 0 : index
      %get3A_67 = vector.load %arg4[%get3A_64, %get3A_65, %get3A_66] : memref<1x768x512xf32, #tpu.memory_space<vmem>>, vector<1x768x512xf32>
      %get3A_68 = vector.shape_cast %get3A_67 : vector<1x768x512xf32> to vector<768x512xf32>
      %dot_general3A = arith.constant dense<0.000000e+00> : vector<256x512xf32>
      %dot_general3A_69 = tpu.matmul %get3A_63, %get3A_68, %dot_general3A {dimension_numbers = #tpu.dot_dimension_numbers<[1], [0], [0], [1], [0, 0, 1, 1], [], []>, transpose_lhs_hint = false} : vector<256x768xf32>, vector<768x512xf32>, vector<256x512xf32> -> vector<256x512xf32>
      %get3A_70 = arith.constant 0 : index
      %get3A_71 = arith.constant 0 : index
      %get3A_72 = arith.constant 0 : index
      %get3A_73 = vector.load %arg5[%get3A_70, %get3A_71, %get3A_72] : memref<1x1x512xf32, #tpu.memory_space<vmem>>, vector<1x1x512xf32>
      %get3A_74 = vector.shape_cast %get3A_73 : vector<1x1x512xf32> to vector<1x512xf32>
      %add3A_75 = vector.broadcast %get3A_74 : vector<1x512xf32> to vector<256x512xf32>
      %add3A_76 = arith.addf %dot_general3A_69, %add3A_75 : vector<256x512xf32>
      %neg3A = arith.constant 0.000000e+00 : f32
      %neg3A_77 = vector.broadcast %neg3A : f32 to vector<256x512xf32>
      %neg3A_78 = arith.subf %neg3A_77, %add3A_76 : vector<256x512xf32>
      %exp3A = math.exp %neg3A_78 : vector<256x512xf32>
      %add3A_79 = arith.constant 1.000000e+00 : f32
      %add3A_80 = vector.broadcast %add3A_79 : f32 to vector<256x512xf32>
      %add3A_81 = arith.addf %add3A_80, %exp3A : vector<256x512xf32>
      %div3A_82 = arith.divf %add3A_76, %add3A_81 : vector<256x512xf32>
      %get3A_83 = arith.constant 0 : index
      %get3A_84 = arith.constant 0 : index
      %get3A_85 = arith.constant 0 : index
      %get3A_86 = vector.load %arg6[%get3A_83, %get3A_84, %get3A_85] : memref<1x768x512xf32, #tpu.memory_space<vmem>>, vector<1x768x512xf32>
      %get3A_87 = vector.shape_cast %get3A_86 : vector<1x768x512xf32> to vector<768x512xf32>
      %dot_general3A_88 = arith.constant dense<0.000000e+00> : vector<256x512xf32>
      %dot_general3A_89 = tpu.matmul %get3A_63, %get3A_87, %dot_general3A_88 {dimension_numbers = #tpu.dot_dimension_numbers<[1], [0], [0], [1], [0, 0, 1, 1], [], []>, transpose_lhs_hint = false} : vector<256x768xf32>, vector<768x512xf32>, vector<256x512xf32> -> vector<256x512xf32>
      %get3A_90 = arith.constant 0 : index
      %get3A_91 = arith.constant 0 : index
      %get3A_92 = arith.constant 0 : index
      %get3A_93 = vector.load %arg7[%get3A_90, %get3A_91, %get3A_92] : memref<1x1x512xf32, #tpu.memory_space<vmem>>, vector<1x1x512xf32>
      %get3A_94 = vector.shape_cast %get3A_93 : vector<1x1x512xf32> to vector<1x512xf32>
      %add3A_95 = vector.broadcast %get3A_94 : vector<1x512xf32> to vector<256x512xf32>
      %add3A_96 = arith.addf %dot_general3A_89, %add3A_95 : vector<256x512xf32>
      %mul3A_97 = arith.mulf %div3A_82, %add3A_96 : vector<256x512xf32>
      %get3A_98 = arith.constant 0 : index
      %get3A_99 = arith.constant 0 : index
      %get3A_100 = arith.constant 0 : index
      %get3A_101 = vector.load %arg8[%get3A_98, %get3A_99, %get3A_100] : memref<1x512x768xf32, #tpu.memory_space<vmem>>, vector<1x512x768xf32>
      %get3A_102 = vector.shape_cast %get3A_101 : vector<1x512x768xf32> to vector<512x768xf32>
      %dot_general3A_103 = arith.constant dense<0.000000e+00> : vector<256x768xf32>
      %dot_general3A_104 = tpu.matmul %mul3A_97, %get3A_102, %dot_general3A_103 {dimension_numbers = #tpu.dot_dimension_numbers<[1], [0], [0], [1], [0, 0, 1, 1], [], []>, transpose_lhs_hint = false} : vector<256x512xf32>, vector<512x768xf32>, vector<256x768xf32> -> vector<256x768xf32>
      %mul3A_105 = arith.constant 256 : i32
      %mul3A_106 = arith.muli %while3A_59, %mul3A_105 : i32
      %iota3A = tpu.iota {dimensions = array<i32: 0>} : vector<256x1xi32>
      %add3A_107 = vector.broadcast %mul3A_106 : i32 to vector<256x1xi32>
      %add3A_108 = arith.addi %add3A_107, %iota3A : vector<256x1xi32>
      %ge3A = vector.broadcast %get3A_1 : i32 to vector<256x1xi32>
      %ge3A_109 = arith.cmpi sge, %add3A_108, %ge3A : vector<256x1xi32>
      %lt3A = vector.broadcast %get3A_5 : i32 to vector<256x1xi32>
      %lt3A_110 = arith.cmpi slt, %add3A_108, %lt3A : vector<256x1xi32>
      %and3A_111 = arith.andi %ge3A_109, %lt3A_110 : vector<256x1xi1>
      %get3A_112 = arith.index_cast %mul3A_60 : i32 to index
      %get3A_113 = arith.constant 0 : index
      %get3A_114 = vector.load %arg10[%get3A_112, %get3A_113] : memref<4096x768xf32, #tpu.memory_space<vmem>>, vector<256x768xf32>
      %eq3A = arith.constant 0 : i32
      %eq3A_115 = arith.cmpi eq, %arg1, %eq3A : i32
      %add3A_116 = arith.addf %get3A_114, %dot_general3A_104 : vector<256x768xf32>
      %select_n3A_117 = arith.select %eq3A_115, %dot_general3A_104, %add3A_116 : vector<256x768xf32>
      %eq3A_118 = arith.constant 5 : i32
      %eq3A_119 = arith.cmpi eq, %arg1, %eq3A_118 : i32
      %get3A_120 = arith.constant 0 : index
      %get3A_121 = arith.constant 0 : index
      %get3A_122 = arith.constant 0 : index
      %get3A_123 = vector.load %arg9[%get3A_120, %get3A_121, %get3A_122] : memref<1x1x768xf32, #tpu.memory_space<vmem>>, vector<1x1x768xf32>
      %get3A_124 = vector.shape_cast %get3A_123 : vector<1x1x768xf32> to vector<1x768xf32>
      %add3A_125 = vector.broadcast %get3A_124 : vector<1x768xf32> to vector<256x768xf32>
      %add3A_126 = arith.addf %select_n3A_117, %add3A_125 : vector<256x768xf32>
      %select_n3A_127 = arith.select %eq3A_119, %add3A_126, %select_n3A_117 : vector<256x768xf32>
      %broadcast_in_dim3A = vector.shape_cast %and3A_111 : vector<256x1xi1> to vector<256x1xi1>
      %broadcast_in_dim3A_128 = vector.broadcast %broadcast_in_dim3A : vector<256x1xi1> to vector<256x768xi1>
      %select_n3A_129 = arith.select %broadcast_in_dim3A_128, %select_n3A_127, %get3A_114 : vector<256x768xi1>, vector<256x768xf32>
      %swap3A = arith.index_cast %mul3A_60 : i32 to index
      %swap3A_130 = arith.constant 0 : index
      %swap3A_131 = vector.load %arg10[%swap3A, %swap3A_130] : memref<4096x768xf32, #tpu.memory_space<vmem>>, vector<256x768xf32>
      tpu.vector_store %arg10[%swap3A, %swap3A_130], %select_n3A_129 {strides = array<i32>} : memref<4096x768xf32, #tpu.memory_space<vmem>>, vector<256x768xf32>,
    }
    return
  }
  func.func @transform_0(%arg0: i32, %arg1: i32, %arg2: memref<1x16xi32, #tpu.memory_space<smem>>) -> (i32, i32) {
    %c0_i32 = arith.constant 0 : i32
    %c0_i32_0 = arith.constant 0 : i32
    %c0_i32_1 = arith.constant 0 : i32
    return %c0_i32, %c0_i32_0 : i32, i32
  }
  func.func @transform_1(%arg0: i32, %arg1: i32, %arg2: memref<1x16xi32, #tpu.memory_space<smem>>) -> (i32, i32, i32) {
    %c0_i32 = arith.constant 0 : i32
    %c0_i32_0 = arith.constant 0 : i32
    return %arg0, %c0_i32, %arg1 : i32, i32, i32
  }
  func.func @transform_2(%arg0: i32, %arg1: i32, %arg2: memref<1x16xi32, #tpu.memory_space<smem>>) -> (i32, i32, i32) {
    %c0_i32 = arith.constant 0 : i32
    %c0_i32_0 = arith.constant 0 : i32
    return %arg0, %c0_i32, %arg1 : i32, i32, i32
  }
  func.func @transform_3(%arg0: i32, %arg1: i32, %arg2: memref<1x16xi32, #tpu.memory_space<smem>>) -> (i32, i32, i32) {
    %c0_i32 = arith.constant 0 : i32
    %c0_i32_0 = arith.constant 0 : i32
    return %arg0, %c0_i32, %arg1 : i32, i32, i32
  }
  func.func @transform_4(%arg0: i32, %arg1: i32, %arg2: memref<1x16xi32, #tpu.memory_space<smem>>) -> (i32, i32, i32) {
    %c0_i32 = arith.constant 0 : i32
    %c0_i32_0 = arith.constant 0 : i32
    return %arg0, %c0_i32, %arg1 : i32, i32, i32
  }
  func.func @transform_5(%arg0: i32, %arg1: i32, %arg2: memref<1x16xi32, #tpu.memory_space<smem>>) -> (i32, i32, i32) {
    %c0_i32 = arith.constant 0 : i32
    %c0_i32_0 = arith.constant 0 : i32
    return %arg0, %arg1, %c0_i32 : i32, i32, i32
  }
  func.func @transform_6(%arg0: i32, %arg1: i32, %arg2: memref<1x16xi32, #tpu.memory_space<smem>>) -> (i32, i32, i32) {
    %c0_i32 = arith.constant 0 : i32
    %c0_i32_0 = arith.constant 0 : i32
    %c0_i32_1 = arith.constant 0 : i32
    return %arg0, %c0_i32, %c0_i32_0 : i32, i32, i32
  }
  func.func @transform_7(%arg0: i32, %arg1: i32, %arg2: memref<1x16xi32, #tpu.memory_space<smem>>) -> (i32, i32) {
    %c0_i32 = arith.constant 0 : i32
    %c0_i32_0 = arith.constant 0 : i32
    %c0_i32_1 = arith.constant 0 : i32
    return %c0_i32, %c0_i32_0 : i32, i32
  }
}

module attributes {stable_mosaic.version = 14 : i64} {
  func.func @_combine_body(%arg0: memref<2048x2xf32, #tpu.memory_space<vmem>>, %arg1: memref<2048x768xf32, #tpu.memory_space<vmem>>, %arg2: memref<2048x768xf32, #tpu.memory_space<vmem>>, %arg3: memref<2048x768xf32, #tpu.memory_space<vmem>>) attributes {dimension_semantics = [], scalar_prefetch = 0 : i64, scratch_operands = 0 : i64, tpu.core_type = #tpu.core_type<tc>} {
    %get3A = arith.constant 0 : index
    %get3A_0 = arith.constant 0 : index
    %get3A_1 = vector.load %arg0[%get3A, %get3A_0] : memref<2048x2xf32, #tpu.memory_space<vmem>>, vector<2048x2xf32>
    %slice3A = vector.extract_strided_slice %get3A_1 {offsets = [0, 0], sizes = [2048, 1], strides = [1, 1]} : vector<2048x2xf32> to vector<2048x1xf32>
    %get3A_2 = arith.constant 0 : index
    %get3A_3 = arith.constant 0 : index
    %get3A_4 = vector.load %arg1[%get3A_2, %get3A_3] : memref<2048x768xf32, #tpu.memory_space<vmem>>, vector<2048x768xf32>
    %mul3A = vector.broadcast %slice3A : vector<2048x1xf32> to vector<2048x768xf32>
    %mul3A_5 = arith.mulf %mul3A, %get3A_4 : vector<2048x768xf32>
    %slice3A_6 = vector.extract_strided_slice %get3A_1 {offsets = [0, 1], sizes = [2048, 1], strides = [1, 1]} : vector<2048x2xf32> to vector<2048x1xf32>
    %get3A_7 = arith.constant 0 : index
    %get3A_8 = arith.constant 0 : index
    %get3A_9 = vector.load %arg2[%get3A_7, %get3A_8] : memref<2048x768xf32, #tpu.memory_space<vmem>>, vector<2048x768xf32>
    %mul3A_10 = vector.broadcast %slice3A_6 : vector<2048x1xf32> to vector<2048x768xf32>
    %mul3A_11 = arith.mulf %mul3A_10, %get3A_9 : vector<2048x768xf32>
    %add3A = arith.addf %mul3A_5, %mul3A_11 : vector<2048x768xf32>
    %swap3A = arith.constant 0 : index
    %swap3A_12 = arith.constant 0 : index
    %swap3A_13 = vector.load %arg3[%swap3A, %swap3A_12] : memref<2048x768xf32, #tpu.memory_space<vmem>>, vector<2048x768xf32>
    tpu.vector_store %arg3[%swap3A, %swap3A_12], %add3A {strides = array<i32>} : memref<2048x768xf32, #tpu.memory_space<vmem>>, vector<2048x768xf32>,
    return
  }
}

</mosaic_0001>

<sc_bundles>
// kernel: kernel.10.cloned.1.call-start
scs
__scs_entry_jumppad:
0x0: {  	(pc) =	sbr.rel $0x88, $3  }
0x1: {  	(tag) =	ssettag $0x0;
	lr =	simm.s32 $0x1  }
0x2: {  	[smem:$0x3F98] =	sst lr;
	_ =	strace $0xD0000000  }
0x3: {  	_ = 	snop  }
0x4: {  	_ = 	snop  }
0x5: {  	_ = 	snop  }
0x6: {  	_ = 	snop  }
0x7: {  	_ = 	snop  }
__scs_overlays_trampoline_lowered:
0x8: {  	[smem:$0x3FA7] =	sst s0  }
0x9: {  	[smem:$0x3FA8] =	sst s1  }
0xa: {  	[smem:$0x3FA9] =	sst s2  }
0xb: {  	[smem:$0x3FAA] =	sst s3  }
0xc: {  	[smem:$0x3FAB] =	sst s4  }
0xd: {  	[smem:$0x3FAC] =	sst s5  }
0xe: {  	[smem:$0x3FAD] =	sst s6  }
0xf: {  	[smem:$0x3FAE] =	sst s7  }
0x10: {  	[smem:$0x3FAF] =	sst s8  }
0x11: {  	[smem:$0x3FB0] =	sst s9;
	s0 =	simm.s32 @!p0 $0x0  }
0x12: {  	s1 =	sld [smem:$0x3F96];
	s0 =	simm.s32 @p0 $0x1  }
0x13: {  	[smem:$0x3FB1] =	sst s0;
	s0 =	simm.s32 @!p1 $0x0  }
0x14: {  	s2 =	sld [smem:$0x3F95];
	s0 =	simm.s32 @p1 $0x1  }
0x15: {  	[smem:$0x3FB2] =	sst s0;
	s0 =	simm.s32 @!p2 $0x0  }
0x16: {  	s3 =	sld [smem:$0x3FDB];
	s0 =	simm.s32 @p2 $0x1  }
0x17: {  	s4 =	simm.s32 $0x1BF5;
	[smem:$0x3FB4] =	sst s0  }
0x18: {  	s0 =	sld [smem:$0x3F97];
	_ =	swait.ge [sflag:s4], $0x0  }
0x19: {  	s7 =	sld [smem:$0x3F98]  }
0x1a: {  	s8 =	sadd.s32 $0xFFFFE003, lr  }
0x1b: {  	s9 =	sadd.s32 $0xFFFFFEF7, lr;
	s5 =	simm.s32 $0xFFFFFFFF;
	p2 =	slt.u32 s8, $0xFFFFF086  }
0x1c: {  	p1 =	slt.u32 s9, $0xF7A;
	s5 =	simm.s32 @!p2 $0x0  }
0x1d: {  	s5 =	simm.s32 @p1 $0x1;
	p0 =	seq.s32 s7, s2  }
0x1e: {  	s7 =	smul.u32 @!p0 $0xF7A, s2;
	p2 =	seq.s32 @!p0 s5, $0x0  }
0x1f: {  	s9 =	smul.u32 $0xF7A, s1;
	s8 =	simm.s32 @!p0 $0x1BF5;
	p2 =	por !p2, p0  }
0x20: {  	[sflag:s8] =	ssyncset.s32 @!p0 $0xFFFFF086;
	s6 =	sadd.s32 @!p0 s3, s7;
	s7 =	simm.s32 @!p0 $0x108  }
0x21: {  	s3 =	sadd.s32 s3, s9;
	s6 =	sadd.s32 @!p0 $0x88, s6;
	s7 =	simm.s32 @p2 $0x1082  }
0x22: {  	[simem:s7], [sflag:s8] =	dma.local @!p0 [hbm:s6], $0xF7A  }
0x23: {  	s9 =	sor.u32 $0xD0000000, s2;
	s6 =	simm.s32 $0x108;
	_ =	swait.ge @!p0 [sflag:s8], $0x0  }
0x24: {  	s3 =	sadd.s32 $0x88, s3;
	s6 =	simm.s32 @!p1 $0x1082;
	[sflag:s4] =	ssyncset.s32 $0xFFFFF086  }
0x25: {  	[simem:s6], [sflag:s4] =	dma.local [hbm:s3], $0xF7A  }
0x26: {  	[smem:$0x3F98] =	sst s1;
	(tag) =	ssettag s2;
	_ =	strace s9  }
0x27: {  	s1 =	sld [smem:$0x3FA8]  }
0x28: {  	s2 =	sld [smem:$0x3FA9]  }
0x29: {  	s4 =	sld [smem:$0x3FAB]  }
0x2a: {  	p0 =	seq.s32 s5, $0x0;
	s5 =	sld [smem:$0x3FAC]  }
0x2b: {  	s6 =	sld [smem:$0x3FAD]  }
0x2c: {  	s7 =	sld [smem:$0x3FAE]  }
0x2d: {  	s3 =	simm.s32 $0x108;
	s8 =	sld [smem:$0x3FAF]  }
0x2e: {  	s3 =	simm.s32 @!p0 $0x1082;
	s9 =	sld [smem:$0x3FB0]  }
0x2f: {  	lr =	sadd.s32 s0, s3;
	s0 =	sld [smem:$0x3FA7]  }
0x30: {  	s3 =	sld [smem:$0x3FAA]  }
0x31: {  	[smem:$0x3FB3] =	sst s10  }
0x32: {  	s10 =	sld [smem:$0x3FB1];
	_ =	sdelay $0x3  }
0x33: {  	p0 =	seq.s32 s10, $0x1;
	s10 =	sld [smem:$0x3FB3];
	_ =	sdelay $0x3  }
0x34: {  	[smem:$0x3FB3] =	sst s10  }
0x35: {  	s10 =	sld [smem:$0x3FB2];
	_ =	sdelay $0x3  }
0x36: {  	p1 =	seq.s32 s10, $0x1;
	s10 =	sld [smem:$0x3FB3];
	_ =	sdelay $0x3  }
0x37: {  	[smem:$0x3FB3] =	sst s10  }
0x38: {  	s10 =	sld [smem:$0x3FB4]  }
0x39: {  	_ = 	snop;
	(pc) =	sbr.ind lr, $3  }
0x3a: {  	_ = 	snop  }
0x3b: {  	_ = 	snop  }
0x3c: {  	p2 =	seq.s32 s10, $0x1;
	s10 =	sld [smem:$0x3FB3]  }
0x3d: {  	_ =	shalt  }
0x3e: {  	_ =	shalt  }
0x3f: {  	_ =	shalt  }
0x40: {  	_ =	shalt  }
0x41: {  	_ =	shalt  }
0x42: {  	_ =	shalt  }
0x43: {  	_ =	shalt  }
0x44: {  	_ =	shalt  }
0x45: {  	_ =	shalt  }
0x46: {  	_ =	shalt  }
0x47: {  	_ =	shalt  }
0x48: {  	_ =	shalt  }
0x49: {  	_ =	shalt  }
0x4a: {  	_ =	shalt  }
0x4b: {  	_ =	shalt  }
0x4c: {  	_ =	shalt  }
0x4d: {  	_ =	shalt  }
0x4e: {  	_ =	shalt  }
0x4f: {  	_ =	shalt  }
0x50: {  	_ =	shalt  }
0x51: {  	_ =	shalt  }
0x52: {  	_ =	shalt  }
0x53: {  	_ =	shalt  }
0x54: {  	_ =	shalt  }
0x55: {  	_ =	shalt  }
0x56: {  	_ =	shalt  }
0x57: {  	_ =	shalt  }
0x58: {  	_ =	shalt  }
0x59: {  	_ =	shalt  }
0x5a: {  	_ =	shalt  }
0x5b: {  	_ =	shalt  }
0x5c: {  	_ =	shalt  }
0x5d: {  	_ =	shalt  }
0x5e: {  	_ =	shalt  }
0x5f: {  	_ =	shalt  }
0x60: {  	_ =	shalt  }
0x61: {  	_ =	shalt  }
0x62: {  	_ =	shalt  }
0x63: {  	_ =	shalt  }
0x64: {  	_ =	shalt  }
0x65: {  	_ =	shalt  }
0x66: {  	_ =	shalt  }
0x67: {  	_ =	shalt  }
0x68: {  	_ =	shalt  }
0x69: {  	_ =	shalt  }
0x6a: {  	_ =	shalt  }
0x6b: {  	_ =	shalt  }
0x6c: {  	_ =	shalt  }
0x6d: {  	_ =	shalt  }
0x6e: {  	_ =	shalt  }
0x6f: {  	_ =	shalt  }
0x70: {  	_ =	shalt  }
0x71: {  	_ =	shalt  }
0x72: {  	_ =	shalt  }
0x73: {  	_ =	shalt  }
0x74: {  	_ =	shalt  }
0x75: {  	_ =	shalt  }
0x76: {  	_ =	shalt  }
0x77: {  	_ =	shalt  }
0x78: {  	_ =	shalt  }
0x79: {  	_ =	shalt  }
0x7a: {  	_ =	shalt  }
0x7b: {  	_ =	shalt  }
0x7c: {  	_ =	shalt  }
0x7d: {  	_ =	shalt  }
0x7e: {  	_ =	shalt  }
0x7f: {  	_ =	shalt  }
0x80: {  	_ =	shalt  }
0x81: {  	_ =	shalt  }
0x82: {  	_ =	shalt  }
0x83: {  	_ =	shalt  }
0x84: {  	_ =	shalt  }
0x85: {  	_ =	shalt  }
0x86: {  	_ =	shalt  }
0x87: {  	_ =	shalt  }
.Lfunc_end0:
.L_simem_size_0:
called_computation.1_lowered:
.L_overlay_start_0:
0x88: {  	s2 =	sld [smem:$0x3FD9]  }
0x89: {  	s3 =	sld [smem:$0x3FFE];
	_ =	sdelay $0x1  }
0x8a: {  	s1 =	srdreg.scid  }
0x8b: {  	s0 =	sand.u32 $0x1, s1  }
0x8c: {  	s14 =	sshll.u32 s0, $0xA;
	s2 =	sadd.s32 s3, s2  }
0x8d: {  	s2 =	sadd.s32 s2, s14  }
0x8e: {  	[smem:$0x3FBF] =	sst s2  }
0x8f: {  	_ = 	snop  }
0x90: {  	s2 =	sld [smem:$0x3FD0];
	_ =	sdelay $0x2  }
0x91: {  	s15 =	simm.s32 $0xA;
	s4 =	simm.s32 $0x10  }
0x92: {  	[smem:s4], [sflag:s15] =	dma.local [hbm:s2], $0x1  }
0x93: {  	_ =	swait.eq [sflag:s15], $0x1  }
0x94: {  	[sflag:s15] =	ssyncset.done $0x0  }
0x95: {  	[sflag:s15] =	ssyncadd.s32 $0xFFFFFFFF  }
0x96: {  	s16 =	sld [smem:$0x10];
	(tm) =	ssettm $0x1  }
0x97: {  	s17 =	sld [smem:$0x3FFB];
	_ =	sdelay $0x3  }
0x98: {  	_ =	strace s17  }
0x99: {  	s3 =	sld [smem:$0x3FFC];
	_ =	sdelay $0x3  }
0x9a: {  	_ =	strace s3  }
0x9b: {  	s3 =	sld [smem:$0x3FFD];
	_ =	sdelay $0x3  }
0x9c: {  	_ =	strace s3  }
0x9d: {  	_ =	strace $0x8FFFFFFF  }
0x9e: {  	s18 =	sld [smem:$0x3FDB];
	_ =	sdelay $0x1  }
0x9f: {  	s19 =	simm.s32 $_scs_section_size  }
0xa0: {  	s5 =	simm.s32 $_size__tile_overlayer_lowered;
	s6 =	simm.s32 $_tile_overlayer_lowered  }
0xa1: {  	s22 =	simm.s32 $0x1BFF;
	s21 =	sshll.u32 s6, $0x1;
	s3 =	sadd.s32 s19, s18  }
0xa2: {  	s7 =	simm.s32 $0x0;
	s20 =	sshll.u32 s5, $0x1;
	s5 =	sadd.s32 s21, s3  }
0xa3: {  	[timem:s7], [sflag:s22] =	dma.local [hbm:s5], s20  }
0xa4: {  	_ =	swait.ge [sflag:s22], s20  }
0xa5: {  	s4 =	ssub.s32 $0x0, s20;
	[sflag:s22] =	ssyncset.done $0x0  }
0xa6: {  	[sflag:s22] =	ssyncadd.s32 s4;
	_ =	sdelay $0x1  }
0xa7: {  	s23 =	simm.s32 $0x1B8B  }
0xa8: {  	_ =	swait.ge [sflag:s23], $0x1  }
0xa9: {  	[sflag:s23] =	ssyncset.done $0x0  }
0xaa: {  	s25 =	simm.s32 $0x1B8E;
	s24 =	sld [smem:$0x3FFE];
	[sflag:s23] =	ssyncadd.s32 $0xFFFFFFFF  }
0xab: {  	s26 =	simm.s32 $execute0_lowered;
	[smem:$0x3FD2] =	sst s25  }
0xac: {  	s5 =	sshll.u32 s26, $0x1;
	_ =	strace $0x80000049;
	[dreg:$0x1] =	wrdreg $0xFFFFFFFF  }
0xad: {  	s28 =	simm.s32 $_size_execute0_lowered;
	s3 =	sadd.s32 s3, s5;
	[dreg:$0x0] =	wrdreg $0x0  }
0xae: {  	s5 =	sshll.u32 s28, $0x1;
	[dreg:$0x2] =	wrdreg s3  }
0xaf: {  	[dreg:$0x3] =	wrdreg s5  }
0xb0: {  	[dreg:$0x4] =	wrdreg $0xC0  }
0xb1: {  	_ =	task [dreg:s7], $0x5FFFF  }
0xb2: {  	[dreg:$0x1] =	wrdreg $0xFFFFFFFF  }
0xb3: {  	[dreg:$0x0] =	wrdreg $0x60  }
0xb4: {  	[dreg:$0x2] =	wrdreg s24  }
0xb5: {  	[dreg:$0x3] =	wrdreg s16  }
0xb6: {  	[dreg:$0x4] =	wrdreg $0x9  }
0xb7: {  	_ =	task.clear_ibuf [dreg:s7], $0x5FFFF;
	_ =	strace $0x90000049  }
0xb8: {  	s29 =	simm.s32 $0x9;
	_ =	strace $0x8000004B  }
0xb9: {  	_ =	swait.ge [sflag:s29], $0x1  }
0xba: {  	[sflag:s29] =	ssyncadd.s32 $0xFFFFFFFF  }
0xbb: {  	_ =	strace $0x9000004B  }
0xbc: {  	_ =	sfence  }
0xbd: {  	s30 =	sld [smem:$0x0];
	_ =	sdelay $0x2  }
0xbe: {  	s31 =	sshll.u32 s1, $0xD;
	s1 =	sshrl.u32 s1, $0x2  }
0xbf: {  	s3 =	sand.u32 $0x4000, s31;
	s1 =	sadd.s32 s1, s30  }
0xc0: {  	s0 =	sor.u32 s3, s0;
	s1 =	sshll.u32 s1, $0x11  }
0xc1: {  	s0 =	sor.u32 s1, s0  }
0xc2: {  	s0 =	sadd.s32 $0x8F2B, s0  }
0xc3: {  	[sflag:s0] =	ssyncadd.remote.s32 $0x1  }
0xc4: {  	_ =	sfence.sel $0xFFFF  }
0xc5: {  	[dreg:$0x0] =	wrdreg $0xFFFFFFFF;
	(pc) =	sbr.abs _section_cstart, $3  }
0xc6: {  	[dreg:$0x1] =	wrdreg $0xFFFFFFFF  }
0xc7: {  	_ =	task.clear_ibuf [dreg:s7], $0x2FFFF;
	_ =	strace $0x9FFFFFFF  }
0xc8: {  	(tm) =	ssettm $0x7FFFFFFF  }
0xc9: {  	_ =	shalt  }
tec
execute0_lowered:
.L_overlay_start_1:
0x0: {  	(tag) =	ssettag $0x1  }
0x1: {  	s2 =	srdreg.scid;
	s1 =	rddreg [dreg:$0x0]  }
0x2: {  	s3 =	rddreg [dreg:$0x1];
	s4 =	sand.u32 $0x1, s2;
	s2 =	simm.s32 $0x0  }
0x3: {  	s23 =	simm.s32 $0x18000;
	[smem:$0x7FF] =	sst s2  }
0x4: {  	s24 =	simm.s32 $0x18080;
	_ =	strace $0x8000004A;
	[dreg:$0x7] =	wrdreg s23  }
0x5: {  	s25 =	simm.s32 $0x800;
	[dreg:$0x8] =	wrdreg s24  }
0x6: {  	s0 =	stileid.u32;
	s26 =	simm.s32 $0x1000;
	[dreg:$0x9] =	wrdreg s25  }
0x7: {  	s5 =	sshll.u32 s0, $0x4;
	s0 =	simm.s32 $0x1800;
	[dreg:$0xa] =	wrdreg s26  }
0x8: {  	s8 =	simm.s32 $0x3800;
	[dreg:$0xb] =	wrdreg s0  }
0x9: {  	s9 =	simm.s32 $0x4000;
	[dreg:$0xf] =	wrdreg s8  }
0xa: {  	s10 =	simm.s32 $0x4800;
	[dreg:$0x10] =	wrdreg s9  }
0xb: {  	s11 =	simm.s32 $0x5000;
	[dreg:$0x11] =	wrdreg s10  }
0xc: {  	s12 =	simm.s32 $0x5800;
	[dreg:$0x12] =	wrdreg s11  }
0xd: {  	s13 =	simm.s32 $0x6000;
	[dreg:$0x13] =	wrdreg s12  }
0xe: {  	s14 =	simm.s32 $0x6800;
	s15 =	simm.s32 $0x7000;
	[dreg:$0x14] =	wrdreg s13  }
0xf: {  	s16 =	simm.s32 $0x7800;
	s17 =	simm.s32 $0x8000;
	[dreg:$0x15] =	wrdreg s14  }
0x10: {  	s18 =	simm.s32 $0x8800;
	s20 =	simm.s32 $0x9000;
	[dreg:$0x16] =	wrdreg s15  }
0x11: {  	s28 =	simm.s32 $0x15800;
	s29 =	simm.s32 $0x16000;
	[dreg:$0x17] =	wrdreg s16  }
0x12: {  	s30 =	simm.s32 $0x16800;
	s31 =	simm.s32 $0x17000;
	[dreg:$0x18] =	wrdreg s17  }
0x13: {  	s6 =	sshll.u32 s4, $0x3;
	s4 =	ssub.s32 $0x2, s4;
	[dreg:$0x19] =	wrdreg s18  }
0x14: {  	s5 =	sor.u32 s6, s5;
	s19 =	sshrl.u32 s4, $0x1;
	[dreg:$0x1a] =	wrdreg s20  }
0x15: {  	s23 =	simm.s32 $0xA800;
	s24 =	simm.s32 $0xB000;
	s25 =	simm.s32 $0xB800  }
0x16: {  	s8 =	simm.s32 $0x1;
	s26 =	simm.s32 $0xC800;
	s9 =	simm.s32 $0xC000  }
0x17: {  	s11 =	simm.s32 $0xD800;
	s12 =	simm.s32 $0xE000;
	s13 =	simm.s32 $0xE800  }
0x18: {  	s14 =	simm.s32 $0xF000;
	s15 =	simm.s32 $0xF800;
	[dreg:$0x1d] =	wrdreg s23  }
0x19: {  	s16 =	simm.s32 $0x10000;
	s17 =	simm.s32 $0x10800;
	[dreg:$0x1e] =	wrdreg s24  }
0x1a: {  	s18 =	simm.s32 $0x11000;
	s6 =	sadd.s32 s5, s1;
	[dreg:$0x1f] =	wrdreg s25  }
0x1b: {  	s5 =	smul.u32 $0x300, s5;
	[smem:$0x7FD] =	sst s26;
	s7 =	sadd.s32 $0x1600, s6  }
0x1c: {  	s20 =	simm.s32 $0x12000;
	s6 =	sadd.s32 $0x1800, s6;
	[dreg:$0x3] =	wrdreg s7  }
0x1d: {  	s23 =	simm.s32 $0x13800;
	[dreg:$0x4] =	wrdreg s6;
	s3 =	sadd.s32 s3, s5  }
0x1e: {  	s21 =	sadd.s32 s5, s1;
	s5 =	simm.s32 $0x2000;
	[dreg:$0x5] =	wrdreg s3  }
0x1f: {  	s24 =	simm.s32 $0x14000;
	s6 =	simm.s32 $0x2800;
	[dreg:$0xc] =	wrdreg s5  }
0x20: {  	s25 =	simm.s32 $0x14800;
	s7 =	simm.s32 $0x3000;
	[dreg:$0xd] =	wrdreg s6  }
0x21: {  	s26 =	simm.s32 $0x15000;
	s22 =	sadd.s32 $0x61A00, s21;
	[dreg:$0xe] =	wrdreg s7  }
0x22: {  	s3 =	sadd.s32 $0x1A00, s1;
	s6 =	ssub.s32 s4, s19;
	s21 =	simm.s32 $0x9800  }
0x23: {  	s4 =	sadd.s32 $0x1B00, s1;
	s5 =	sadd.s32 $0x1C00, s1;
	s7 =	simm.s32 $0x2  }
0x24: {  	v2 =	vlaneseq.u32;
	s19 =	simm.s32 $0x11800;
	s1 =	simm.s32 $0x17800;
	[dreg:$0x6] =	wrdreg s22  }
0x25: {  	vm0 =	vmmov $0xffff;
	v1 =	vshrl.u32 v2, $0x3;
	[dreg:$0x1b] =	wrdreg s21;
	s22 =	simm.s32 $0xA000;
	s6 =	smax.u32 s6, $0x1  }
0x26: {  	v0 =	vand.u32 $0x7, v2;
	v2 =	vor.u32 $0x8, v2;
	v1 =	vmul.u32 $0x8, v1;
	s21 =	simm.s32 $0x12800;
	[dreg:$0x1c] =	wrdreg s22;
	s22 =	simm.s32 $0x13000  }
.LBB2_1:
0x27: {  	s0 =	rddreg [dreg:$0x3]  }
0x28: {  	s10 =	rddreg [dreg:$0x7]  }
0x29: {  	[tilespmem:s10], [sflag:$0x2] =	stream.linear.gather [hbm4b:s0+s2], $0x40, $0x38;
	[tilespmem:$0x18100] =	vst v63  }
0x2a: {  	_ =	swait.ge [sflag:s7], $0x40  }
0x2b: {  	s0 =	rddreg [dreg:$0x4];
	[sflag:s7] =	ssyncset.done $0x0  }
0x2c: {  	s10 =	rddreg [dreg:$0x8];
	[sflag:s7] =	ssyncadd.s32 $0xFFFFFFC0  }
0x2d: {  	[tilespmem:s10], [sflag:$0x2] =	stream.linear.gather [hbm4b:s0+s2], $0x40, $0x38;
	[tilespmem:$0x18100] =	vst v63  }
0x2e: {  	_ =	swait.ge [sflag:s7], $0x40  }
0x2f: {  	[sflag:s7] =	ssyncset.done $0x0  }
0x30: {  	[sflag:s7] =	ssyncadd.s32 $0xFFFFFFC0  }
0x31: {  	v3 =	vld [tilespmem:$0x18000];
	_ =	sdelay $0x4  }
0x32: {  	v4 =	vshrl.u32 v3, $0x3  }
0x33: {  	v4 =	vmul.u32 $0x30, v4  }
0x34: {  	v3 =	vand.u32 $0x7, v3  }
0x35: {  	v3 =	vor.u32 v3, v4  }
0x36: {  	v4 =	vperm.xlane v3, v0;
	_ =	sdelay $0x1  }
0x37: {  	v4 =	vadd.s32 v1, v4;
	_ =	sdelay $0x3  }
0x38: {  	v3 =	vperm.xlane v3, v2  }
0x39: {  	[tilespmem:s2], [sflag:$0x1] =	stream.indirect_vreg.gather [hbm4b:s3+s2], $0x80, v4, vm0, $0xb8;
	[tilespmem:$0x18100] =	vst v63  }
0x3a: {  	s0 =	rddreg [dreg:$0x9];
	v3 =	vadd.s32 v1, v3  }
0x3b: {  	[tilespmem:s0], [sflag:$0x1] =	stream.indirect_vreg.gather [hbm4b:s4+s2], $0x80, v4, vm0, $0xb8;
	[tilespmem:$0x18100] =	vst v63  }
0x3c: {  	s10 =	rddreg [dreg:$0xa]  }
0x3d: {  	[tilespmem:s10], [sflag:$0x1] =	stream.indirect_vreg.gather [hbm4b:s5+s2], $0x80, v4, vm0, $0xb8;
	[tilespmem:$0x18100] =	vst v63  }
0x3e: {  	s0 =	rddreg [dreg:$0xb]  }
0x3f: {  	[tilespmem:s0], [sflag:$0x1] =	stream.indirect_vreg.gather [hbm4b:s3+s2], $0x80, v3, vm0, $0xb8;
	[tilespmem:$0x18100] =	vst v63  }
0x40: {  	s10 =	rddreg [dreg:$0xc]  }
0x41: {  	[tilespmem:s10], [sflag:$0x1] =	stream.indirect_vreg.gather [hbm4b:s4+s2], $0x80, v3, vm0, $0xb8;
	[tilespmem:$0x18100] =	vst v63  }
0x42: {  	s0 =	rddreg [dreg:$0xd]  }
0x43: {  	[tilespmem:s0], [sflag:$0x1] =	stream.indirect_vreg.gather [hbm4b:s5+s2], $0x80, v3, vm0, $0xb8;
	[tilespmem:$0x18100] =	vst v63  }
0x44: {  	v3 =	vld [tilespmem:$0x18010];
	_ =	sdelay $0x4  }
0x45: {  	v57 =	vshrl.u32 v3, $0x3  }
0x46: {  	v4 =	vmul.u32 $0x30, v57  }
0x47: {  	v3 =	vand.u32 $0x7, v3  }
0x48: {  	v3 =	vor.u32 v3, v4  }
0x49: {  	v4 =	vperm.xlane v3, v0;
	_ =	sdelay $0x1  }
0x4a: {  	v4 =	vadd.s32 v1, v4;
	_ =	sdelay $0x3  }
0x4b: {  	s0 =	rddreg [dreg:$0xe];
	v3 =	vperm.xlane v3, v2  }
0x4c: {  	[tilespmem:s0], [sflag:$0x1] =	stream.indirect_vreg.gather [hbm4b:s3+s2], $0x80, v4, vm0, $0xb8;
	[tilespmem:$0x18100] =	vst v63  }
0x4d: {  	s10 =	rddreg [dreg:$0xf];
	v3 =	vadd.s32 v1, v3  }
0x4e: {  	[tilespmem:s10], [sflag:$0x1] =	stream.indirect_vreg.gather [hbm4b:s4+s2], $0x80, v4, vm0, $0xb8;
	[tilespmem:$0x18100] =	vst v63  }
0x4f: {  	s0 =	rddreg [dreg:$0x10]  }
0x50: {  	[tilespmem:s0], [sflag:$0x1] =	stream.indirect_vreg.gather [hbm4b:s5+s2], $0x80, v4, vm0, $0xb8;
	[tilespmem:$0x18100] =	vst v63  }
0x51: {  	s10 =	rddreg [dreg:$0x11]  }
0x52: {  	[tilespmem:s10], [sflag:$0x1] =	stream.indirect_vreg.gather [hbm4b:s3+s2], $0x80, v3, vm0, $0xb8;
	[tilespmem:$0x18100] =	vst v63  }
0x53: {  	s0 =	rddreg [dreg:$0x12]  }
0x54: {  	[tilespmem:s0], [sflag:$0x1] =	stream.indirect_vreg.gather [hbm4b:s4+s2], $0x80, v3, vm0, $0xb8;
	[tilespmem:$0x18100] =	vst v63  }
0x55: {  	s10 =	rddreg [dreg:$0x13]  }
0x56: {  	[tilespmem:s10], [sflag:$0x1] =	stream.indirect_vreg.gather [hbm4b:s5+s2], $0x80, v3, vm0, $0xb8;
	[tilespmem:$0x18100] =	vst v63  }
0x57: {  	v3 =	vld [tilespmem:$0x18020];
	_ =	sdelay $0x4  }
0x58: {  	v58 =	vshrl.u32 v3, $0x3  }
0x59: {  	v4 =	vmul.u32 $0x30, v58  }
0x5a: {  	v3 =	vand.u32 $0x7, v3  }
0x5b: {  	v3 =	vor.u32 v3, v4  }
0x5c: {  	v4 =	vperm.xlane v3, v0;
	_ =	sdelay $0x1  }
0x5d: {  	v4 =	vadd.s32 v1, v4;
	_ =	sdelay $0x3  }
0x5e: {  	s0 =	rddreg [dreg:$0x14];
	v3 =	vperm.xlane v3, v2  }
0x5f: {  	[tilespmem:s0], [sflag:$0x1] =	stream.indirect_vreg.gather [hbm4b:s3+s2], $0x80, v4, vm0, $0xb8;
	[tilespmem:$0x18100] =	vst v63  }
0x60: {  	s10 =	rddreg [dreg:$0x15];
	v3 =	vadd.s32 v1, v3  }
0x61: {  	[tilespmem:s10], [sflag:$0x1] =	stream.indirect_vreg.gather [hbm4b:s4+s2], $0x80, v4, vm0, $0xb8;
	[tilespmem:$0x18100] =	vst v63  }
0x62: {  	s0 =	rddreg [dreg:$0x16]  }
0x63: {  	[tilespmem:s0], [sflag:$0x1] =	stream.indirect_vreg.gather [hbm4b:s5+s2], $0x80, v4, vm0, $0xb8;
	[tilespmem:$0x18100] =	vst v63  }
0x64: {  	s10 =	rddreg [dreg:$0x17]  }
0x65: {  	[tilespmem:s10], [sflag:$0x1] =	stream.indirect_vreg.gather [hbm4b:s3+s2], $0x80, v3, vm0, $0xb8;
	[tilespmem:$0x18100] =	vst v63  }
0x66: {  	s0 =	rddreg [dreg:$0x18]  }
0x67: {  	[tilespmem:s0], [sflag:$0x1] =	stream.indirect_vreg.gather [hbm4b:s4+s2], $0x80, v3, vm0, $0xb8;
	[tilespmem:$0x18100] =	vst v63  }
0x68: {  	s10 =	rddreg [dreg:$0x19]  }
0x69: {  	[tilespmem:s10], [sflag:$0x1] =	stream.indirect_vreg.gather [hbm4b:s5+s2], $0x80, v3, vm0, $0xb8;
	[tilespmem:$0x18100] =	vst v63  }
0x6a: {  	v3 =	vld [tilespmem:$0x18030];
	_ =	sdelay $0x4  }
0x6b: {  	v59 =	vshrl.u32 v3, $0x3  }
0x6c: {  	v4 =	vmul.u32 $0x30, v59  }
0x6d: {  	v3 =	vand.u32 $0x7, v3  }
0x6e: {  	v3 =	vor.u32 v3, v4  }
0x6f: {  	v4 =	vperm.xlane v3, v0;
	_ =	sdelay $0x1  }
0x70: {  	v4 =	vadd.s32 v1, v4;
	_ =	sdelay $0x3  }
0x71: {  	s0 =	rddreg [dreg:$0x1a];
	v3 =	vperm.xlane v3, v2  }
0x72: {  	[tilespmem:s0], [sflag:$0x1] =	stream.indirect_vreg.gather [hbm4b:s3+s2], $0x80, v4, vm0, $0xb8;
	[tilespmem:$0x18100] =	vst v63  }
0x73: {  	s10 =	rddreg [dreg:$0x1b];
	v3 =	vadd.s32 v1, v3  }
0x74: {  	[tilespmem:s10], [sflag:$0x1] =	stream.indirect_vreg.gather [hbm4b:s4+s2], $0x80, v4, vm0, $0xb8;
	[tilespmem:$0x18100] =	vst v63  }
0x75: {  	s0 =	rddreg [dreg:$0x1c]  }
0x76: {  	[tilespmem:s0], [sflag:$0x1] =	stream.indirect_vreg.gather [hbm4b:s5+s2], $0x80, v4, vm0, $0xb8;
	[tilespmem:$0x18100] =	vst v63  }
0x77: {  	s10 =	rddreg [dreg:$0x1d]  }
0x78: {  	[tilespmem:s10], [sflag:$0x1] =	stream.indirect_vreg.gather [hbm4b:s3+s2], $0x80, v3, vm0, $0xb8;
	[tilespmem:$0x18100] =	vst v63  }
0x79: {  	s0 =	rddreg [dreg:$0x1e]  }
0x7a: {  	[tilespmem:s0], [sflag:$0x1] =	stream.indirect_vreg.gather [hbm4b:s4+s2], $0x80, v3, vm0, $0xb8;
	[tilespmem:$0x18100] =	vst v63  }
0x7b: {  	s10 =	rddreg [dreg:$0x1f]  }
0x7c: {  	[tilespmem:s10], [sflag:$0x1] =	stream.indirect_vreg.gather [hbm4b:s5+s2], $0x80, v3, vm0, $0xb8;
	[tilespmem:$0x18100] =	vst v63  }
0x7d: {  	_ =	swait.ge [sflag:s8], $0xC000  }
0x7e: {  	[sflag:s8] =	ssyncset.done $0x0  }
0x7f: {  	[sflag:s8] =	ssyncadd.s32 $0xFFFF4000  }
0x80: {  	v3 =	vld [tilespmem:$0x18080];
	_ =	sdelay $0x4  }
0x81: {  	v60 =	vshrl.u32 v3, $0x3  }
0x82: {  	v4 =	vmul.u32 $0x30, v60  }
0x83: {  	v3 =	vand.u32 $0x7, v3  }
0x84: {  	v3 =	vor.u32 v3, v4  }
0x85: {  	v4 =	vperm.xlane v3, v0;
	_ =	sdelay $0x1  }
0x86: {  	v4 =	vadd.s32 v1, v4;
	_ =	sdelay $0x3  }
0x87: {  	s10 =	sld [smem:$0x7FD];
	v3 =	vperm.xlane v3, v2  }
0x88: {  	[tilespmem:s9], [sflag:$0x1] =	stream.indirect_vreg.gather [hbm4b:s3+s2], $0x80, v4, vm0, $0xb8;
	[tilespmem:$0x18100] =	vst v63  }
0x89: {  	v3 =	vadd.s32 v1, v3  }
0x8a: {  	[tilespmem:s10], [sflag:$0x1] =	stream.indirect_vreg.gather [hbm4b:s4+s2], $0x80, v4, vm0, $0xb8;
	[tilespmem:$0x18100] =	vst v63  }
0x8b: {  	s10 =	simm.s32 $0xD000  }
0x8c: {  	[tilespmem:s10], [sflag:$0x1] =	stream.indirect_vreg.gather [hbm4b:s5+s2], $0x80, v4, vm0, $0xb8;
	[tilespmem:$0x18100] =	vst v63  }
0x8d: {  	_ = 	snop  }
0x8e: {  	[tilespmem:s11], [sflag:$0x1] =	stream.indirect_vreg.gather [hbm4b:s3+s2], $0x80, v3, vm0, $0xb8;
	[tilespmem:$0x18100] =	vst v63  }
0x8f: {  	_ = 	snop  }
0x90: {  	[tilespmem:s12], [sflag:$0x1] =	stream.indirect_vreg.gather [hbm4b:s4+s2], $0x80, v3, vm0, $0xb8;
	[tilespmem:$0x18100] =	vst v63  }
0x91: {  	_ = 	snop  }
0x92: {  	[tilespmem:s13], [sflag:$0x1] =	stream.indirect_vreg.gather [hbm4b:s5+s2], $0x80, v3, vm0, $0xb8;
	[tilespmem:$0x18100] =	vst v63  }
0x93: {  	v3 =	vld [tilespmem:$0x18090];
	_ =	sdelay $0x4  }
0x94: {  	v61 =	vshrl.u32 v3, $0x3  }
0x95: {  	v4 =	vmul.u32 $0x30, v61  }
0x96: {  	v3 =	vand.u32 $0x7, v3  }
0x97: {  	v3 =	vor.u32 v3, v4  }
0x98: {  	v4 =	vperm.xlane v3, v0;
	_ =	sdelay $0x1  }
0x99: {  	v4 =	vadd.s32 v1, v4;
	_ =	sdelay $0x3  }
0x9a: {  	v3 =	vperm.xlane v3, v2  }
0x9b: {  	[tilespmem:s14], [sflag:$0x1] =	stream.indirect_vreg.gather [hbm4b:s3+s2], $0x80, v4, vm0, $0xb8;
	[tilespmem:$0x18100] =	vst v63  }
0x9c: {  	v3 =	vadd.s32 v1, v3  }
0x9d: {  	[tilespmem:s15], [sflag:$0x1] =	stream.indirect_vreg.gather [hbm4b:s4+s2], $0x80, v4, vm0, $0xb8;
	[tilespmem:$0x18100] =	vst v63  }
0x9e: {  	_ = 	snop  }
0x9f: {  	[tilespmem:s16], [sflag:$0x1] =	stream.indirect_vreg.gather [hbm4b:s5+s2], $0x80, v4, vm0, $0xb8;
	[tilespmem:$0x18100] =	vst v63  }
0xa0: {  	_ = 	snop  }
0xa1: {  	[tilespmem:s17], [sflag:$0x1] =	stream.indirect_vreg.gather [hbm4b:s3+s2], $0x80, v3, vm0, $0xb8;
	[tilespmem:$0x18100] =	vst v63  }
0xa2: {  	_ = 	snop  }
0xa3: {  	[tilespmem:s18], [sflag:$0x1] =	stream.indirect_vreg.gather [hbm4b:s4+s2], $0x80, v3, vm0, $0xb8;
	[tilespmem:$0x18100] =	vst v63  }
0xa4: {  	_ = 	snop  }
0xa5: {  	[tilespmem:s19], [sflag:$0x1] =	stream.indirect_vreg.gather [hbm4b:s5+s2], $0x80, v3, vm0, $0xb8;
	[tilespmem:$0x18100] =	vst v63  }
0xa6: {  	v3 =	vld [tilespmem:$0x180A0];
	_ =	sdelay $0x4  }
0xa7: {  	v62 =	vshrl.u32 v3, $0x3  }
0xa8: {  	v4 =	vmul.u32 $0x30, v62  }
0xa9: {  	v3 =	vand.u32 $0x7, v3  }
0xaa: {  	v3 =	vor.u32 v3, v4  }
0xab: {  	v4 =	vperm.xlane v3, v0;
	_ =	sdelay $0x1  }
0xac: {  	v4 =	vadd.s32 v1, v4;
	_ =	sdelay $0x3  }
0xad: {  	v3 =	vperm.xlane v3, v2  }
0xae: {  	[tilespmem:s20], [sflag:$0x1] =	stream.indirect_vreg.gather [hbm4b:s3+s2], $0x80, v4, vm0, $0xb8;
	[tilespmem:$0x18100] =	vst v63  }
0xaf: {  	v3 =	vadd.s32 v1, v3  }
0xb0: {  	[tilespmem:s21], [sflag:$0x1] =	stream.indirect_vreg.gather [hbm4b:s4+s2], $0x80, v4, vm0, $0xb8;
	[tilespmem:$0x18100] =	vst v63  }
0xb1: {  	_ = 	snop  }
0xb2: {  	[tilespmem:s22], [sflag:$0x1] =	stream.indirect_vreg.gather [hbm4b:s5+s2], $0x80, v4, vm0, $0xb8;
	[tilespmem:$0x18100] =	vst v63  }
0xb3: {  	_ = 	snop  }
0xb4: {  	[tilespmem:s23], [sflag:$0x1] =	stream.indirect_vreg.gather [hbm4b:s3+s2], $0x80, v3, vm0, $0xb8;
	[tilespmem:$0x18100] =	vst v63  }
0xb5: {  	_ = 	snop  }
0xb6: {  	[tilespmem:s24], [sflag:$0x1] =	stream.indirect_vreg.gather [hbm4b:s4+s2], $0x80, v3, vm0, $0xb8;
	[tilespmem:$0x18100] =	vst v63  }
0xb7: {  	_ = 	snop  }
0xb8: {  	[tilespmem:s25], [sflag:$0x1] =	stream.indirect_vreg.gather [hbm4b:s5+s2], $0x80, v3, vm0, $0xb8;
	[tilespmem:$0x18100] =	vst v63  }
0xb9: {  	v3 =	vld [tilespmem:$0x180B0];
	_ =	sdelay $0x4  }
0xba: {  	v63 =	vshrl.u32 v3, $0x3  }
0xbb: {  	v4 =	vmul.u32 $0x30, v63  }
0xbc: {  	v3 =	vand.u32 $0x7, v3  }
0xbd: {  	v3 =	vor.u32 v3, v4  }
0xbe: {  	v4 =	vperm.xlane v3, v0;
	_ =	sdelay $0x1  }
0xbf: {  	v4 =	vadd.s32 v1, v4;
	_ =	sdelay $0x3  }
0xc0: {  	v3 =	vperm.xlane v3, v2  }
0xc1: {  	[tilespmem:s26], [sflag:$0x1] =	stream.indirect_vreg.gather [hbm4b:s3+s2], $0x80, v4, vm0, $0xb8;
	[tilespmem:$0x18100] =	vst v63  }
0xc2: {  	v3 =	vadd.s32 v1, v3  }
0xc3: {  	[tilespmem:s28], [sflag:$0x1] =	stream.indirect_vreg.gather [hbm4b:s4+s2], $0x80, v4, vm0, $0xb8;
	[tilespmem:$0x18100] =	vst v63  }
0xc4: {  	_ = 	snop  }
0xc5: {  	[tilespmem:s29], [sflag:$0x1] =	stream.indirect_vreg.gather [hbm4b:s5+s2], $0x80, v4, vm0, $0xb8;
	[tilespmem:$0x18100] =	vst v63  }
0xc6: {  	_ = 	snop  }
0xc7: {  	[tilespmem:s30], [sflag:$0x1] =	stream.indirect_vreg.gather [hbm4b:s3+s2], $0x80, v3, vm0, $0xb8;
	[tilespmem:$0x18100] =	vst v63  }
0xc8: {  	_ = 	snop  }
0xc9: {  	[tilespmem:s31], [sflag:$0x1] =	stream.indirect_vreg.gather [hbm4b:s4+s2], $0x80, v3, vm0, $0xb8;
	[tilespmem:$0x18100] =	vst v63  }
0xca: {  	_ = 	snop  }
0xcb: {  	[tilespmem:s1], [sflag:$0x1] =	stream.indirect_vreg.gather [hbm4b:s5+s2], $0x80, v3, vm0, $0xb8;
	[tilespmem:$0x18100] =	vst v63  }
0xcc: {  	_ =	swait.ge [sflag:s8], $0xC000  }
0xcd: {  	[sflag:s8] =	ssyncset.done $0x0  }
0xce: {  	s10 =	rddreg [dreg:$0x5];
	[sflag:s8] =	ssyncadd.s32 $0xFFFF4000  }
0xcf: {  	[hbm4b:s10+s2] =	stream.linear.scatter [tilespmem:s2], [sflag:$0x2], $0xC000, $0x38;
	[tilespmem:$0x18100] =	vst v63  }
0xd0: {  	_ =	swait.ge [sflag:s7], $0xC000  }
0xd1: {  	p0 =	sne.s32 s6, $0x1;
	[sflag:s7] =	ssyncset.done $0x0  }
.Ltmp0:
0xd2: {  	s10 =	rddreg [dreg:$0x6];
	[sflag:s7] =	ssyncadd.s32 $0xFFFF4000;
	(pc) =	sbr.rel @p0 .LBB2_1-.Ltmp0, $4  }
0xd3: {  	[hbm4b:s10+s2] =	stream.linear.scatter [tilespmem:s9], [sflag:$0x2], $0xC000, $0x38;
	[tilespmem:$0x18100] =	vst v63  }
0xd4: {  	_ =	swait.ge [sflag:s7], $0xC000  }
0xd5: {  	[sflag:s7] =	ssyncset.done $0x0  }
0xd6: {  	s6 =	sadd.s32 $0xFFFFFFFF, s6;
	[sflag:s7] =	ssyncadd.s32 $0xFFFF4000  }
0xd7: {  	_ =	sfence.sel $0x180000  }
0xd8: {  	[bflag:$0x0] =	sbarrier.arrive $0xFFFF  }
0xd9: {  	_ =	strace $0x9000004A  }
0xda: {  	s0 =	stileid.u32;
	[bflag:$0x2] =	sbarrier.arrive $0xFFFF  }
0xdb: {  	p0 =	sne.s32 s0, $0x0;
	s0 =	rddreg [dreg:$0x2]  }
0xdc: {  	s0 =	sadd.s32 @!p0 $0x100000, s0  }
0xdd: {  	[sflag:s0] =	ssyncadd.tile.s32 @!p0 $0x1;
	_ =	shalt  }
.Lfunc_end2:
_tile_overlayer_lowered:
.L_overlay_start_2:
0xde: {  	(tag) =	ssettag $0x2  }
0xdf: {  	s0 =	rddreg [dreg:$0x0];
	s2 =	stileid.u32  }
0xe0: {  	s1 =	rddreg [dreg:$0x1];
	p0 =	sne.s32 s2, $0x0  }
0xe1: {  	s3 =	rddreg [dreg:$0x2];
	[bflag:$0x3] =	sbarrier.arrive $0xFFFF;
	s2 =	simm.s32 @!p0 $0x1C02  }
0xe2: {  	[timem:s3], [sflag:s2] =	dma.local @!p0 [hbm:s0], s1  }
0xe3: {  	s0 =	simm.s32 @!p0 $0x2  }
0xe4: {  	_ =	swait.ge @!p0 [sflag:s0], s1  }
0xe5: {  	s1 =	ssub.s32 @!p0 $0x0, s1;
	[sflag:s0] =	ssyncset.done @!p0 $0x0  }
0xe6: {  	[sflag:s0] =	ssyncadd.s32 @!p0 s1  }
0xe7: {  	[bflag:$0x3] =	sbarrier.arrive $0xFFFF  }
0xe8: {  	_ =	shalt  }

// kernel: kernel.7.cloned.1.call-start
scs
__scs_entry_jumppad:
0x0: {  	(pc) =	sbr.rel $0x88, $3  }
0x1: {  	(tag) =	ssettag $0x0;
	lr =	simm.s32 $0x1  }
0x2: {  	[smem:$0x3F98] =	sst lr;
	_ =	strace $0xD0000000  }
0x3: {  	_ = 	snop  }
0x4: {  	_ = 	snop  }
0x5: {  	_ = 	snop  }
0x6: {  	_ = 	snop  }
0x7: {  	_ = 	snop  }
__scs_overlays_trampoline_lowered:
0x8: {  	[smem:$0x3FA7] =	sst s0  }
0x9: {  	[smem:$0x3FA8] =	sst s1  }
0xa: {  	[smem:$0x3FA9] =	sst s2  }
0xb: {  	[smem:$0x3FAA] =	sst s3  }
0xc: {  	[smem:$0x3FAB] =	sst s4  }
0xd: {  	[smem:$0x3FAC] =	sst s5  }
0xe: {  	[smem:$0x3FAD] =	sst s6  }
0xf: {  	[smem:$0x3FAE] =	sst s7  }
0x10: {  	[smem:$0x3FAF] =	sst s8  }
0x11: {  	[smem:$0x3FB0] =	sst s9;
	s0 =	simm.s32 @!p0 $0x0  }
0x12: {  	s1 =	sld [smem:$0x3F96];
	s0 =	simm.s32 @p0 $0x1  }
0x13: {  	[smem:$0x3FB1] =	sst s0;
	s0 =	simm.s32 @!p1 $0x0  }
0x14: {  	s2 =	sld [smem:$0x3F95];
	s0 =	simm.s32 @p1 $0x1  }
0x15: {  	[smem:$0x3FB2] =	sst s0;
	s0 =	simm.s32 @!p2 $0x0  }
0x16: {  	s3 =	sld [smem:$0x3FDB];
	s0 =	simm.s32 @p2 $0x1  }
0x17: {  	s4 =	simm.s32 $0x1BF5;
	[smem:$0x3FB4] =	sst s0  }
0x18: {  	s0 =	sld [smem:$0x3F97];
	_ =	swait.ge [sflag:s4], $0x0  }
0x19: {  	s7 =	sld [smem:$0x3F98]  }
0x1a: {  	s8 =	sadd.s32 $0xFFFFE003, lr  }
0x1b: {  	s9 =	sadd.s32 $0xFFFFFEF7, lr;
	s5 =	simm.s32 $0xFFFFFFFF;
	p2 =	slt.u32 s8, $0xFFFFF086  }
0x1c: {  	p1 =	slt.u32 s9, $0xF7A;
	s5 =	simm.s32 @!p2 $0x0  }
0x1d: {  	s5 =	simm.s32 @p1 $0x1;
	p0 =	seq.s32 s7, s2  }
0x1e: {  	s7 =	smul.u32 @!p0 $0xF7A, s2;
	p2 =	seq.s32 @!p0 s5, $0x0  }
0x1f: {  	s9 =	smul.u32 $0xF7A, s1;
	s8 =	simm.s32 @!p0 $0x1BF5;
	p2 =	por !p2, p0  }
0x20: {  	[sflag:s8] =	ssyncset.s32 @!p0 $0xFFFFF086;
	s6 =	sadd.s32 @!p0 s3, s7;
	s7 =	simm.s32 @!p0 $0x108  }
0x21: {  	s3 =	sadd.s32 s3, s9;
	s6 =	sadd.s32 @!p0 $0x88, s6;
	s7 =	simm.s32 @p2 $0x1082  }
0x22: {  	[simem:s7], [sflag:s8] =	dma.local @!p0 [hbm:s6], $0xF7A  }
0x23: {  	s9 =	sor.u32 $0xD0000000, s2;
	s6 =	simm.s32 $0x108;
	_ =	swait.ge @!p0 [sflag:s8], $0x0  }
0x24: {  	s3 =	sadd.s32 $0x88, s3;
	s6 =	simm.s32 @!p1 $0x1082;
	[sflag:s4] =	ssyncset.s32 $0xFFFFF086  }
0x25: {  	[simem:s6], [sflag:s4] =	dma.local [hbm:s3], $0xF7A  }
0x26: {  	[smem:$0x3F98] =	sst s1;
	(tag) =	ssettag s2;
	_ =	strace s9  }
0x27: {  	s1 =	sld [smem:$0x3FA8]  }
0x28: {  	s2 =	sld [smem:$0x3FA9]  }
0x29: {  	s4 =	sld [smem:$0x3FAB]  }
0x2a: {  	p0 =	seq.s32 s5, $0x0;
	s5 =	sld [smem:$0x3FAC]  }
0x2b: {  	s6 =	sld [smem:$0x3FAD]  }
0x2c: {  	s7 =	sld [smem:$0x3FAE]  }
0x2d: {  	s3 =	simm.s32 $0x108;
	s8 =	sld [smem:$0x3FAF]  }
0x2e: {  	s3 =	simm.s32 @!p0 $0x1082;
	s9 =	sld [smem:$0x3FB0]  }
0x2f: {  	lr =	sadd.s32 s0, s3;
	s0 =	sld [smem:$0x3FA7]  }
0x30: {  	s3 =	sld [smem:$0x3FAA]  }
0x31: {  	[smem:$0x3FB3] =	sst s10  }
0x32: {  	s10 =	sld [smem:$0x3FB1];
	_ =	sdelay $0x3  }
0x33: {  	p0 =	seq.s32 s10, $0x1;
	s10 =	sld [smem:$0x3FB3];
	_ =	sdelay $0x3  }
0x34: {  	[smem:$0x3FB3] =	sst s10  }
0x35: {  	s10 =	sld [smem:$0x3FB2];
	_ =	sdelay $0x3  }
0x36: {  	p1 =	seq.s32 s10, $0x1;
	s10 =	sld [smem:$0x3FB3];
	_ =	sdelay $0x3  }
0x37: {  	[smem:$0x3FB3] =	sst s10  }
0x38: {  	s10 =	sld [smem:$0x3FB4]  }
0x39: {  	_ = 	snop;
	(pc) =	sbr.ind lr, $3  }
0x3a: {  	_ = 	snop  }
0x3b: {  	_ = 	snop  }
0x3c: {  	p2 =	seq.s32 s10, $0x1;
	s10 =	sld [smem:$0x3FB3]  }
0x3d: {  	_ =	shalt  }
0x3e: {  	_ =	shalt  }
0x3f: {  	_ =	shalt  }
0x40: {  	_ =	shalt  }
0x41: {  	_ =	shalt  }
0x42: {  	_ =	shalt  }
0x43: {  	_ =	shalt  }
0x44: {  	_ =	shalt  }
0x45: {  	_ =	shalt  }
0x46: {  	_ =	shalt  }
0x47: {  	_ =	shalt  }
0x48: {  	_ =	shalt  }
0x49: {  	_ =	shalt  }
0x4a: {  	_ =	shalt  }
0x4b: {  	_ =	shalt  }
0x4c: {  	_ =	shalt  }
0x4d: {  	_ =	shalt  }
0x4e: {  	_ =	shalt  }
0x4f: {  	_ =	shalt  }
0x50: {  	_ =	shalt  }
0x51: {  	_ =	shalt  }
0x52: {  	_ =	shalt  }
0x53: {  	_ =	shalt  }
0x54: {  	_ =	shalt  }
0x55: {  	_ =	shalt  }
0x56: {  	_ =	shalt  }
0x57: {  	_ =	shalt  }
0x58: {  	_ =	shalt  }
0x59: {  	_ =	shalt  }
0x5a: {  	_ =	shalt  }
0x5b: {  	_ =	shalt  }
0x5c: {  	_ =	shalt  }
0x5d: {  	_ =	shalt  }
0x5e: {  	_ =	shalt  }
0x5f: {  	_ =	shalt  }
0x60: {  	_ =	shalt  }
0x61: {  	_ =	shalt  }
0x62: {  	_ =	shalt  }
0x63: {  	_ =	shalt  }
0x64: {  	_ =	shalt  }
0x65: {  	_ =	shalt  }
0x66: {  	_ =	shalt  }
0x67: {  	_ =	shalt  }
0x68: {  	_ =	shalt  }
0x69: {  	_ =	shalt  }
0x6a: {  	_ =	shalt  }
0x6b: {  	_ =	shalt  }
0x6c: {  	_ =	shalt  }
0x6d: {  	_ =	shalt  }
0x6e: {  	_ =	shalt  }
0x6f: {  	_ =	shalt  }
0x70: {  	_ =	shalt  }
0x71: {  	_ =	shalt  }
0x72: {  	_ =	shalt  }
0x73: {  	_ =	shalt  }
0x74: {  	_ =	shalt  }
0x75: {  	_ =	shalt  }
0x76: {  	_ =	shalt  }
0x77: {  	_ =	shalt  }
0x78: {  	_ =	shalt  }
0x79: {  	_ =	shalt  }
0x7a: {  	_ =	shalt  }
0x7b: {  	_ =	shalt  }
0x7c: {  	_ =	shalt  }
0x7d: {  	_ =	shalt  }
0x7e: {  	_ =	shalt  }
0x7f: {  	_ =	shalt  }
0x80: {  	_ =	shalt  }
0x81: {  	_ =	shalt  }
0x82: {  	_ =	shalt  }
0x83: {  	_ =	shalt  }
0x84: {  	_ =	shalt  }
0x85: {  	_ =	shalt  }
0x86: {  	_ =	shalt  }
0x87: {  	_ =	shalt  }
.Lfunc_end0:
.L_simem_size_0:
called_computation_lowered:
.L_overlay_start_0:
0x88: {  	s2 =	sld [smem:$0x3FD9]  }
0x89: {  	s3 =	sld [smem:$0x3FFE];
	_ =	sdelay $0x1  }
0x8a: {  	s1 =	srdreg.scid  }
0x8b: {  	s0 =	sand.u32 $0x1, s1  }
0x8c: {  	s17 =	sshll.u32 s0, $0xA;
	s2 =	sadd.s32 s3, s2  }
0x8d: {  	s2 =	sadd.s32 s2, s17  }
0x8e: {  	[smem:$0x3FBF] =	sst s2  }
0x8f: {  	_ = 	snop  }
0x90: {  	s2 =	sld [smem:$0x3FC9];
	(tm) =	ssettm $0x1  }
0x91: {  	s18 =	sld [smem:$0x3FFB];
	_ =	sdelay $0x3  }
0x92: {  	_ =	strace s18  }
0x93: {  	s3 =	sld [smem:$0x3FFC];
	_ =	sdelay $0x3  }
0x94: {  	_ =	strace s3  }
0x95: {  	s3 =	sld [smem:$0x3FFD];
	_ =	sdelay $0x3  }
0x96: {  	_ =	strace s3  }
0x97: {  	_ =	strace $0x8FFFFFFF  }
0x98: {  	s19 =	sld [smem:$0x3FDB];
	_ =	sdelay $0x1  }
0x99: {  	s4 =	simm.s32 $_scs_section_size  }
0x9a: {  	s5 =	simm.s32 $_size__tile_overlayer_lowered;
	s6 =	simm.s32 $_tile_overlayer_lowered  }
0x9b: {  	s22 =	simm.s32 $0x1BFF;
	s21 =	sshll.u32 s6, $0x1;
	s3 =	sadd.s32 s4, s19  }
0x9c: {  	s7 =	simm.s32 $0x0;
	s20 =	sshll.u32 s5, $0x1;
	s5 =	sadd.s32 s21, s3  }
0x9d: {  	[timem:s7], [sflag:s22] =	dma.local [hbm:s5], s20  }
0x9e: {  	_ =	swait.ge [sflag:s22], s20  }
0x9f: {  	s4 =	ssub.s32 $0x0, s20;
	[sflag:s22] =	ssyncset.done $0x0  }
0xa0: {  	[sflag:s22] =	ssyncadd.s32 s4;
	_ =	sdelay $0x1  }
0xa1: {  	s23 =	simm.s32 $0x1B8B  }
0xa2: {  	_ =	swait.ge [sflag:s23], $0x1  }
0xa3: {  	[sflag:s23] =	ssyncset.done $0x0  }
0xa4: {  	s25 =	simm.s32 $0x1B8E;
	s24 =	sld [smem:$0x3FFE];
	[sflag:s23] =	ssyncadd.s32 $0xFFFFFFFF  }
0xa5: {  	s26 =	simm.s32 $execute0_lowered;
	[smem:$0x3FD2] =	sst s25  }
0xa6: {  	s5 =	sshll.u32 s26, $0x1;
	_ =	strace $0x80000046;
	[dreg:$0x1] =	wrdreg $0xFFFFFFFF  }
0xa7: {  	s28 =	simm.s32 $_size_execute0_lowered;
	s3 =	sadd.s32 s3, s5;
	[dreg:$0x0] =	wrdreg $0x0  }
0xa8: {  	s5 =	sshll.u32 s28, $0x1;
	[dreg:$0x2] =	wrdreg s3  }
0xa9: {  	[dreg:$0x3] =	wrdreg s5  }
0xaa: {  	[dreg:$0x4] =	wrdreg $0xC0  }
0xab: {  	_ =	task [dreg:s7], $0x5FFFF  }
0xac: {  	[dreg:$0x1] =	wrdreg $0xFFFFFFFF  }
0xad: {  	[dreg:$0x0] =	wrdreg $0x60  }
0xae: {  	[dreg:$0x2] =	wrdreg s2  }
0xaf: {  	[dreg:$0x3] =	wrdreg s24  }
0xb0: {  	[dreg:$0x4] =	wrdreg $0x9  }
0xb1: {  	_ =	task.clear_ibuf [dreg:s7], $0x5FFFF;
	_ =	strace $0x90000046  }
0xb2: {  	s29 =	simm.s32 $0x9;
	_ =	strace $0x80000048  }
0xb3: {  	_ =	swait.ge [sflag:s29], $0x1  }
0xb4: {  	[sflag:s29] =	ssyncadd.s32 $0xFFFFFFFF  }
0xb5: {  	_ =	strace $0x90000048  }
0xb6: {  	_ =	sfence  }
0xb7: {  	s30 =	sld [smem:$0x0];
	_ =	sdelay $0x2  }
0xb8: {  	s31 =	sshll.u32 s1, $0xD;
	s1 =	sshrl.u32 s1, $0x2  }
0xb9: {  	s3 =	sand.u32 $0x4000, s31;
	s1 =	sadd.s32 s1, s30  }
0xba: {  	s0 =	sor.u32 s3, s0;
	s1 =	sshll.u32 s1, $0x11  }
0xbb: {  	s0 =	sor.u32 s1, s0  }
0xbc: {  	s0 =	sadd.s32 $0x8F2B, s0  }
0xbd: {  	[sflag:s0] =	ssyncadd.remote.s32 $0x1  }
0xbe: {  	_ =	sfence.sel $0xFFFF  }
0xbf: {  	[dreg:$0x0] =	wrdreg $0xFFFFFFFF;
	(pc) =	sbr.abs _section_cstart, $3  }
0xc0: {  	[dreg:$0x1] =	wrdreg $0xFFFFFFFF  }
0xc1: {  	_ =	task.clear_ibuf [dreg:s7], $0x2FFFF;
	_ =	strace $0x9FFFFFFF  }
0xc2: {  	(tm) =	ssettm $0x7FFFFFFF  }
0xc3: {  	_ =	shalt  }
tec
execute0_lowered:
.L_overlay_start_1:
0x0: {  	(tag) =	ssettag $0x1  }
0x1: {  	s1 =	srdreg.scid  }
0x2: {  	s4 =	rddreg [dreg:$0x0];
	s0 =	stileid.u32  }
0x3: {  	s5 =	rddreg [dreg:$0x1];
	s2 =	simm.s32 $0x0;
	s26 =	simm.s32 $0xC000  }
0x4: {  	s8 =	simm.s32 $0xC080;
	s9 =	simm.s32 $0x1000;
	s10 =	simm.s32 $0x1800  }
0x5: {  	s11 =	simm.s32 $0x2000;
	s12 =	simm.s32 $0x2800;
	s13 =	simm.s32 $0x3000  }
0x6: {  	s14 =	simm.s32 $0x3800;
	s15 =	simm.s32 $0x4000;
	s16 =	simm.s32 $0x4800  }
0x7: {  	s17 =	simm.s32 $0x5000;
	s18 =	simm.s32 $0x5800;
	s19 =	simm.s32 $0x6000  }
0x8: {  	s20 =	simm.s32 $0x6800;
	s21 =	simm.s32 $0x7000;
	s22 =	simm.s32 $0x7800  }
0x9: {  	s28 =	simm.s32 $0xA000;
	s29 =	simm.s32 $0xA800;
	s30 =	simm.s32 $0xB000  }
0xa: {  	s31 =	simm.s32 $0xB800;
	s1 =	sand.u32 $0x1, s1;
	[smem:$0x7FF] =	sst s2  }
0xb: {  	s3 =	sshll.u32 s0, $0x4;
	_ =	strace $0x80000047;
	[dreg:$0x6] =	wrdreg s26  }
0xc: {  	s6 =	sshll.u32 s1, $0x3;
	s1 =	ssub.s32 $0x2, s1;
	[dreg:$0x7] =	wrdreg s8  }
0xd: {  	s26 =	simm.s32 $0x9800;
	s3 =	sor.u32 s6, s3;
	s23 =	sshrl.u32 s1, $0x1  }
0xe: {  	s6 =	smul.u32 $0x300, s3;
	s7 =	sadd.s32 s3, s5;
	s3 =	sadd.s32 $0x1A00, s5  }
0xf: {  	s1 =	ssub.s32 s1, s23;
	s23 =	simm.s32 $0x8000;
	s24 =	sadd.s32 $0x1600, s7  }
0x10: {  	s25 =	sadd.s32 $0x1800, s7;
	s7 =	simm.s32 $0x2;
	[dreg:$0x4] =	wrdreg s24  }
0x11: {  	v2 =	vlaneseq.u32;
	s4 =	sadd.s32 s4, s6;
	[dreg:$0x5] =	wrdreg s25;
	s6 =	smax.u32 s1, $0x1  }
0x12: {  	vm0 =	vmmov $0xffff;
	v1 =	vshrl.u32 v2, $0x3;
	s24 =	simm.s32 $0x8800;
	s25 =	simm.s32 $0x9000;
	s1 =	simm.s32 $0x1  }
0x13: {  	v0 =	vand.u32 $0x7, v2;
	v2 =	vor.u32 $0x8, v2;
	v1 =	vmul.u32 $0x8, v1;
	[dreg:$0x3] =	wrdreg s4;
	s4 =	sadd.s32 $0x1B00, s5;
	s5 =	sadd.s32 $0x1C00, s5  }
.LBB2_1:
0x14: {  	s0 =	rddreg [dreg:$0x3]  }
0x15: {  	[tilespmem:s2], [sflag:$0x2] =	stream.linear.gather [hbm4b:s0+s2], $0xC000, $0x38;
	[tilespmem:$0xC100] =	vst v63  }
0x16: {  	_ =	swait.ge [sflag:s7], $0xC000  }
0x17: {  	s0 =	rddreg [dreg:$0x4];
	[sflag:s7] =	ssyncset.done $0x0  }
0x18: {  	s8 =	rddreg [dreg:$0x6];
	[sflag:s7] =	ssyncadd.s32 $0xFFFF4000  }
0x19: {  	[tilespmem:s8], [sflag:$0x2] =	stream.linear.gather [hbm4b:s0+s2], $0x40, $0x38;
	[tilespmem:$0xC100] =	vst v63  }
0x1a: {  	_ =	swait.ge [sflag:s7], $0x40  }
0x1b: {  	s0 =	rddreg [dreg:$0x5];
	[sflag:s7] =	ssyncset.done $0x0  }
0x1c: {  	s8 =	rddreg [dreg:$0x7];
	[sflag:s7] =	ssyncadd.s32 $0xFFFFFFC0  }
0x1d: {  	[tilespmem:s8], [sflag:$0x2] =	stream.linear.gather [hbm4b:s0+s2], $0x40, $0x38;
	[tilespmem:$0xC100] =	vst v63  }
0x1e: {  	_ =	swait.ge [sflag:s7], $0x40  }
0x1f: {  	[sflag:s7] =	ssyncset.done $0x0  }
0x20: {  	[sflag:s7] =	ssyncadd.s32 $0xFFFFFFC0  }
0x21: {  	v3 =	vld [tilespmem:$0xC000];
	_ =	sdelay $0x4  }
0x22: {  	v4 =	vshrl.u32 v3, $0x3  }
0x23: {  	v4 =	vmul.u32 $0x30, v4  }
0x24: {  	v3 =	vand.u32 $0x7, v3  }
0x25: {  	v3 =	vor.u32 v3, v4  }
0x26: {  	v4 =	vperm.xlane v3, v0;
	_ =	sdelay $0x1  }
0x27: {  	v4 =	vadd.s32 v1, v4;
	_ =	sdelay $0x3  }
0x28: {  	v3 =	vperm.xlane v3, v2  }
0x29: {  	[hbm4b:s3+s2] =	stream.indirect_vreg.scatter [tilespmem:s2], [sflag:$0x1], $0x80, v4, vm0, $0xb8;
	[tilespmem:$0xC100] =	vst v63  }
0x2a: {  	s8 =	simm.s32 $0x800;
	v3 =	vadd.s32 v1, v3  }
0x2b: {  	[hbm4b:s4+s2] =	stream.indirect_vreg.scatter [tilespmem:s8], [sflag:$0x1], $0x80, v4, vm0, $0xb8;
	[tilespmem:$0xC100] =	vst v63  }
0x2c: {  	_ = 	snop  }
0x2d: {  	[hbm4b:s5+s2] =	stream.indirect_vreg.scatter [tilespmem:s9], [sflag:$0x1], $0x80, v4, vm0, $0xb8;
	[tilespmem:$0xC100] =	vst v63  }
0x2e: {  	_ = 	snop  }
0x2f: {  	[hbm4b:s3+s2] =	stream.indirect_vreg.scatter [tilespmem:s10], [sflag:$0x1], $0x80, v3, vm0, $0xb8;
	[tilespmem:$0xC100] =	vst v63  }
0x30: {  	_ = 	snop  }
0x31: {  	[hbm4b:s4+s2] =	stream.indirect_vreg.scatter [tilespmem:s11], [sflag:$0x1], $0x80, v3, vm0, $0xb8;
	[tilespmem:$0xC100] =	vst v63  }
0x32: {  	_ = 	snop  }
0x33: {  	[hbm4b:s5+s2] =	stream.indirect_vreg.scatter [tilespmem:s12], [sflag:$0x1], $0x80, v3, vm0, $0xb8;
	[tilespmem:$0xC100] =	vst v63  }
0x34: {  	v3 =	vld [tilespmem:$0xC010];
	_ =	sdelay $0x4  }
0x35: {  	v57 =	vshrl.u32 v3, $0x3  }
0x36: {  	v4 =	vmul.u32 $0x30, v57  }
0x37: {  	v3 =	vand.u32 $0x7, v3  }
0x38: {  	v3 =	vor.u32 v3, v4  }
0x39: {  	v4 =	vperm.xlane v3, v0;
	_ =	sdelay $0x1  }
0x3a: {  	v4 =	vadd.s32 v1, v4;
	_ =	sdelay $0x3  }
0x3b: {  	v3 =	vperm.xlane v3, v2  }
0x3c: {  	[hbm4b:s3+s2] =	stream.indirect_vreg.scatter [tilespmem:s13], [sflag:$0x1], $0x80, v4, vm0, $0xb8;
	[tilespmem:$0xC100] =	vst v63  }
0x3d: {  	v3 =	vadd.s32 v1, v3  }
0x3e: {  	[hbm4b:s4+s2] =	stream.indirect_vreg.scatter [tilespmem:s14], [sflag:$0x1], $0x80, v4, vm0, $0xb8;
	[tilespmem:$0xC100] =	vst v63  }
0x3f: {  	_ = 	snop  }
0x40: {  	[hbm4b:s5+s2] =	stream.indirect_vreg.scatter [tilespmem:s15], [sflag:$0x1], $0x80, v4, vm0, $0xb8;
	[tilespmem:$0xC100] =	vst v63  }
0x41: {  	_ = 	snop  }
0x42: {  	[hbm4b:s3+s2] =	stream.indirect_vreg.scatter [tilespmem:s16], [sflag:$0x1], $0x80, v3, vm0, $0xb8;
	[tilespmem:$0xC100] =	vst v63  }
0x43: {  	_ = 	snop  }
0x44: {  	[hbm4b:s4+s2] =	stream.indirect_vreg.scatter [tilespmem:s17], [sflag:$0x1], $0x80, v3, vm0, $0xb8;
	[tilespmem:$0xC100] =	vst v63  }
0x45: {  	_ = 	snop  }
0x46: {  	[hbm4b:s5+s2] =	stream.indirect_vreg.scatter [tilespmem:s18], [sflag:$0x1], $0x80, v3, vm0, $0xb8;
	[tilespmem:$0xC100] =	vst v63  }
0x47: {  	v3 =	vld [tilespmem:$0xC020];
	_ =	sdelay $0x4  }
0x48: {  	v58 =	vshrl.u32 v3, $0x3  }
0x49: {  	v4 =	vmul.u32 $0x30, v58  }
0x4a: {  	v3 =	vand.u32 $0x7, v3  }
0x4b: {  	v3 =	vor.u32 v3, v4  }
0x4c: {  	v4 =	vperm.xlane v3, v0;
	_ =	sdelay $0x1  }
0x4d: {  	v4 =	vadd.s32 v1, v4;
	_ =	sdelay $0x3  }
0x4e: {  	v3 =	vperm.xlane v3, v2  }
0x4f: {  	[hbm4b:s3+s2] =	stream.indirect_vreg.scatter [tilespmem:s19], [sflag:$0x1], $0x80, v4, vm0, $0xb8;
	[tilespmem:$0xC100] =	vst v63  }
0x50: {  	v3 =	vadd.s32 v1, v3  }
0x51: {  	[hbm4b:s4+s2] =	stream.indirect_vreg.scatter [tilespmem:s20], [sflag:$0x1], $0x80, v4, vm0, $0xb8;
	[tilespmem:$0xC100] =	vst v63  }
0x52: {  	_ = 	snop  }
0x53: {  	[hbm4b:s5+s2] =	stream.indirect_vreg.scatter [tilespmem:s21], [sflag:$0x1], $0x80, v4, vm0, $0xb8;
	[tilespmem:$0xC100] =	vst v63  }
0x54: {  	_ = 	snop  }
0x55: {  	[hbm4b:s3+s2] =	stream.indirect_vreg.scatter [tilespmem:s22], [sflag:$0x1], $0x80, v3, vm0, $0xb8;
	[tilespmem:$0xC100] =	vst v63  }
0x56: {  	_ = 	snop  }
0x57: {  	[hbm4b:s4+s2] =	stream.indirect_vreg.scatter [tilespmem:s23], [sflag:$0x1], $0x80, v3, vm0, $0xb8;
	[tilespmem:$0xC100] =	vst v63  }
0x58: {  	_ = 	snop  }
0x59: {  	[hbm4b:s5+s2] =	stream.indirect_vreg.scatter [tilespmem:s24], [sflag:$0x1], $0x80, v3, vm0, $0xb8;
	[tilespmem:$0xC100] =	vst v63  }
0x5a: {  	v3 =	vld [tilespmem:$0xC030];
	_ =	sdelay $0x4  }
0x5b: {  	v59 =	vshrl.u32 v3, $0x3  }
0x5c: {  	v4 =	vmul.u32 $0x30, v59  }
0x5d: {  	v3 =	vand.u32 $0x7, v3  }
0x5e: {  	v3 =	vor.u32 v3, v4  }
0x5f: {  	v4 =	vperm.xlane v3, v0;
	_ =	sdelay $0x1  }
0x60: {  	v4 =	vadd.s32 v1, v4;
	_ =	sdelay $0x3  }
0x61: {  	v3 =	vperm.xlane v3, v2  }
0x62: {  	[hbm4b:s3+s2] =	stream.indirect_vreg.scatter [tilespmem:s25], [sflag:$0x1], $0x80, v4, vm0, $0xb8;
	[tilespmem:$0xC100] =	vst v63  }
0x63: {  	v3 =	vadd.s32 v1, v3  }
0x64: {  	[hbm4b:s4+s2] =	stream.indirect_vreg.scatter [tilespmem:s26], [sflag:$0x1], $0x80, v4, vm0, $0xb8;
	[tilespmem:$0xC100] =	vst v63  }
0x65: {  	_ = 	snop  }
0x66: {  	[hbm4b:s5+s2] =	stream.indirect_vreg.scatter [tilespmem:s28], [sflag:$0x1], $0x80, v4, vm0, $0xb8;
	[tilespmem:$0xC100] =	vst v63  }
0x67: {  	_ = 	snop  }
0x68: {  	[hbm4b:s3+s2] =	stream.indirect_vreg.scatter [tilespmem:s29], [sflag:$0x1], $0x80, v3, vm0, $0xb8;
	[tilespmem:$0xC100] =	vst v63  }
0x69: {  	_ = 	snop  }
0x6a: {  	[hbm4b:s4+s2] =	stream.indirect_vreg.scatter [tilespmem:s30], [sflag:$0x1], $0x80, v3, vm0, $0xb8;
	[tilespmem:$0xC100] =	vst v63  }
0x6b: {  	_ = 	snop  }
0x6c: {  	[hbm4b:s5+s2] =	stream.indirect_vreg.scatter [tilespmem:s31], [sflag:$0x1], $0x80, v3, vm0, $0xb8;
	[tilespmem:$0xC100] =	vst v63  }
0x6d: {  	_ =	swait.ge [sflag:s1], $0xC000  }
0x6e: {  	[sflag:s1] =	ssyncset.done $0x0  }
0x6f: {  	[sflag:s1] =	ssyncadd.s32 $0xFFFF4000  }
0x70: {  	v3 =	vld [tilespmem:$0xC080];
	_ =	sdelay $0x4  }
0x71: {  	v60 =	vshrl.u32 v3, $0x3  }
0x72: {  	v4 =	vmul.u32 $0x30, v60  }
0x73: {  	v3 =	vand.u32 $0x7, v3  }
0x74: {  	v3 =	vor.u32 v3, v4  }
0x75: {  	v4 =	vperm.xlane v3, v0;
	_ =	sdelay $0x1  }
0x76: {  	v4 =	vadd.s32 v1, v4;
	_ =	sdelay $0x3  }
0x77: {  	v3 =	vperm.xlane v3, v2  }
0x78: {  	[hbm4b:s3+s2] =	stream.indirect_vreg.scatter [tilespmem:s2], [sflag:$0x1], $0x80, v4, vm0, $0xb8;
	[tilespmem:$0xC100] =	vst v63  }
0x79: {  	v3 =	vadd.s32 v1, v3  }
0x7a: {  	[hbm4b:s4+s2] =	stream.indirect_vreg.scatter [tilespmem:s8], [sflag:$0x1], $0x80, v4, vm0, $0xb8;
	[tilespmem:$0xC100] =	vst v63  }
0x7b: {  	_ = 	snop  }
0x7c: {  	[hbm4b:s5+s2] =	stream.indirect_vreg.scatter [tilespmem:s9], [sflag:$0x1], $0x80, v4, vm0, $0xb8;
	[tilespmem:$0xC100] =	vst v63  }
0x7d: {  	_ = 	snop  }
0x7e: {  	[hbm4b:s3+s2] =	stream.indirect_vreg.scatter [tilespmem:s10], [sflag:$0x1], $0x80, v3, vm0, $0xb8;
	[tilespmem:$0xC100] =	vst v63  }
0x7f: {  	_ = 	snop  }
0x80: {  	[hbm4b:s4+s2] =	stream.indirect_vreg.scatter [tilespmem:s11], [sflag:$0x1], $0x80, v3, vm0, $0xb8;
	[tilespmem:$0xC100] =	vst v63  }
0x81: {  	_ = 	snop  }
0x82: {  	[hbm4b:s5+s2] =	stream.indirect_vreg.scatter [tilespmem:s12], [sflag:$0x1], $0x80, v3, vm0, $0xb8;
	[tilespmem:$0xC100] =	vst v63  }
0x83: {  	v3 =	vld [tilespmem:$0xC090];
	_ =	sdelay $0x4  }
0x84: {  	v61 =	vshrl.u32 v3, $0x3  }
0x85: {  	v4 =	vmul.u32 $0x30, v61  }
0x86: {  	v3 =	vand.u32 $0x7, v3  }
0x87: {  	v3 =	vor.u32 v3, v4  }
0x88: {  	v4 =	vperm.xlane v3, v0;
	_ =	sdelay $0x1  }
0x89: {  	v4 =	vadd.s32 v1, v4;
	_ =	sdelay $0x3  }
0x8a: {  	v3 =	vperm.xlane v3, v2  }
0x8b: {  	[hbm4b:s3+s2] =	stream.indirect_vreg.scatter [tilespmem:s13], [sflag:$0x1], $0x80, v4, vm0, $0xb8;
	[tilespmem:$0xC100] =	vst v63  }
0x8c: {  	v3 =	vadd.s32 v1, v3  }
0x8d: {  	[hbm4b:s4+s2] =	stream.indirect_vreg.scatter [tilespmem:s14], [sflag:$0x1], $0x80, v4, vm0, $0xb8;
	[tilespmem:$0xC100] =	vst v63  }
0x8e: {  	_ = 	snop  }
0x8f: {  	[hbm4b:s5+s2] =	stream.indirect_vreg.scatter [tilespmem:s15], [sflag:$0x1], $0x80, v4, vm0, $0xb8;
	[tilespmem:$0xC100] =	vst v63  }
0x90: {  	_ = 	snop  }
0x91: {  	[hbm4b:s3+s2] =	stream.indirect_vreg.scatter [tilespmem:s16], [sflag:$0x1], $0x80, v3, vm0, $0xb8;
	[tilespmem:$0xC100] =	vst v63  }
0x92: {  	_ = 	snop  }
0x93: {  	[hbm4b:s4+s2] =	stream.indirect_vreg.scatter [tilespmem:s17], [sflag:$0x1], $0x80, v3, vm0, $0xb8;
	[tilespmem:$0xC100] =	vst v63  }
0x94: {  	_ = 	snop  }
0x95: {  	[hbm4b:s5+s2] =	stream.indirect_vreg.scatter [tilespmem:s18], [sflag:$0x1], $0x80, v3, vm0, $0xb8;
	[tilespmem:$0xC100] =	vst v63  }
0x96: {  	v3 =	vld [tilespmem:$0xC0A0];
	_ =	sdelay $0x4  }
0x97: {  	v62 =	vshrl.u32 v3, $0x3  }
0x98: {  	v4 =	vmul.u32 $0x30, v62  }
0x99: {  	v3 =	vand.u32 $0x7, v3  }
0x9a: {  	v3 =	vor.u32 v3, v4  }
0x9b: {  	v4 =	vperm.xlane v3, v0;
	_ =	sdelay $0x1  }
0x9c: {  	v4 =	vadd.s32 v1, v4;
	_ =	sdelay $0x3  }
0x9d: {  	v3 =	vperm.xlane v3, v2  }
0x9e: {  	[hbm4b:s3+s2] =	stream.indirect_vreg.scatter [tilespmem:s19], [sflag:$0x1], $0x80, v4, vm0, $0xb8;
	[tilespmem:$0xC100] =	vst v63  }
0x9f: {  	v3 =	vadd.s32 v1, v3  }
0xa0: {  	[hbm4b:s4+s2] =	stream.indirect_vreg.scatter [tilespmem:s20], [sflag:$0x1], $0x80, v4, vm0, $0xb8;
	[tilespmem:$0xC100] =	vst v63  }
0xa1: {  	_ = 	snop  }
0xa2: {  	[hbm4b:s5+s2] =	stream.indirect_vreg.scatter [tilespmem:s21], [sflag:$0x1], $0x80, v4, vm0, $0xb8;
	[tilespmem:$0xC100] =	vst v63  }
0xa3: {  	_ = 	snop  }
0xa4: {  	[hbm4b:s3+s2] =	stream.indirect_vreg.scatter [tilespmem:s22], [sflag:$0x1], $0x80, v3, vm0, $0xb8;
	[tilespmem:$0xC100] =	vst v63  }
0xa5: {  	_ = 	snop  }
0xa6: {  	[hbm4b:s4+s2] =	stream.indirect_vreg.scatter [tilespmem:s23], [sflag:$0x1], $0x80, v3, vm0, $0xb8;
	[tilespmem:$0xC100] =	vst v63  }
0xa7: {  	_ = 	snop  }
0xa8: {  	[hbm4b:s5+s2] =	stream.indirect_vreg.scatter [tilespmem:s24], [sflag:$0x1], $0x80, v3, vm0, $0xb8;
	[tilespmem:$0xC100] =	vst v63  }
0xa9: {  	v3 =	vld [tilespmem:$0xC0B0];
	_ =	sdelay $0x4  }
0xaa: {  	v63 =	vshrl.u32 v3, $0x3  }
0xab: {  	v4 =	vmul.u32 $0x30, v63  }
0xac: {  	v3 =	vand.u32 $0x7, v3  }
0xad: {  	v3 =	vor.u32 v3, v4  }
0xae: {  	v4 =	vperm.xlane v3, v0;
	_ =	sdelay $0x1  }
0xaf: {  	v4 =	vadd.s32 v1, v4;
	_ =	sdelay $0x3  }
0xb0: {  	v3 =	vperm.xlane v3, v2  }
0xb1: {  	[hbm4b:s3+s2] =	stream.indirect_vreg.scatter [tilespmem:s25], [sflag:$0x1], $0x80, v4, vm0, $0xb8;
	[tilespmem:$0xC100] =	vst v63  }
0xb2: {  	v3 =	vadd.s32 v1, v3  }
0xb3: {  	[hbm4b:s4+s2] =	stream.indirect_vreg.scatter [tilespmem:s26], [sflag:$0x1], $0x80, v4, vm0, $0xb8;
	[tilespmem:$0xC100] =	vst v63  }
0xb4: {  	_ = 	snop  }
0xb5: {  	[hbm4b:s5+s2] =	stream.indirect_vreg.scatter [tilespmem:s28], [sflag:$0x1], $0x80, v4, vm0, $0xb8;
	[tilespmem:$0xC100] =	vst v63  }
0xb6: {  	_ = 	snop  }
0xb7: {  	[hbm4b:s3+s2] =	stream.indirect_vreg.scatter [tilespmem:s29], [sflag:$0x1], $0x80, v3, vm0, $0xb8;
	[tilespmem:$0xC100] =	vst v63  }
0xb8: {  	p0 =	sne.s32 s6, $0x1  }
0xb9: {  	[hbm4b:s4+s2] =	stream.indirect_vreg.scatter [tilespmem:s30], [sflag:$0x1], $0x80, v3, vm0, $0xb8;
	[tilespmem:$0xC100] =	vst v63  }
.Ltmp0:
0xba: {  	_ = 	snop;
	(pc) =	sbr.rel @p0 .LBB2_1-.Ltmp0, $4  }
0xbb: {  	[hbm4b:s5+s2] =	stream.indirect_vreg.scatter [tilespmem:s31], [sflag:$0x1], $0x80, v3, vm0, $0xb8;
	[tilespmem:$0xC100] =	vst v63  }
0xbc: {  	_ =	swait.ge [sflag:s1], $0xC000  }
0xbd: {  	[sflag:s1] =	ssyncset.done $0x0  }
0xbe: {  	s6 =	sadd.s32 $0xFFFFFFFF, s6;
	[sflag:s1] =	ssyncadd.s32 $0xFFFF4000  }
0xbf: {  	_ =	sfence.sel $0x180000  }
0xc0: {  	[bflag:$0x0] =	sbarrier.arrive $0xFFFF  }
0xc1: {  	_ =	strace $0x90000047  }
0xc2: {  	s0 =	stileid.u32;
	[bflag:$0x2] =	sbarrier.arrive $0xFFFF  }
0xc3: {  	p0 =	sne.s32 s0, $0x0;
	s0 =	rddreg [dreg:$0x2]  }
0xc4: {  	s0 =	sadd.s32 @!p0 $0x100000, s0  }
0xc5: {  	[sflag:s0] =	ssyncadd.tile.s32 @!p0 $0x1;
	_ =	shalt  }
.Lfunc_end2:
_tile_overlayer_lowered:
.L_overlay_start_2:
0xc6: {  	(tag) =	ssettag $0x2  }
0xc7: {  	s0 =	rddreg [dreg:$0x0];
	s2 =	stileid.u32  }
0xc8: {  	s1 =	rddreg [dreg:$0x1];
	p0 =	sne.s32 s2, $0x0  }
0xc9: {  	s3 =	rddreg [dreg:$0x2];
	[bflag:$0x3] =	sbarrier.arrive $0xFFFF;
	s2 =	simm.s32 @!p0 $0x1C02  }
0xca: {  	[timem:s3], [sflag:s2] =	dma.local @!p0 [hbm:s0], s1  }
0xcb: {  	s0 =	simm.s32 @!p0 $0x2  }
0xcc: {  	_ =	swait.ge @!p0 [sflag:s0], s1  }
0xcd: {  	s1 =	ssub.s32 @!p0 $0x0, s1;
	[sflag:s0] =	ssyncset.done @!p0 $0x0  }
0xce: {  	[sflag:s0] =	ssyncadd.s32 @!p0 s1  }
0xcf: {  	[bflag:$0x3] =	sbarrier.arrive $0xFFFF  }
0xd0: {  	_ =	shalt  }

</sc_bundles>
